<compile_context>
chip_gen: v7x
topology: tpu7x:2x2x1
jax: 0.10.2.dev20260603
libtpu: 0.0.44.dev20260713+nightly
codegen_flags: <defaults>
</compile_context>

<pallas_src>
import functools

import jax
import jax.numpy as jnp
from jax import lax
from jax.experimental import pallas as pl
from jax.experimental.pallas import tpu as pltpu
from jax.experimental.pallas import tpu_sc as plsc

N_NODES = 10000
N_EDGES = 320000
D = 128

NC = 2
NS = 16
NW = NC * NS
EDGES_PER_W = N_EDGES // NW
CHUNK = 80
NCHUNK = EDGES_PER_W // CHUNK
NBUF = 3
DRING = 6
UNROLL = 6
NGROUP = NCHUNK // UNROLL
ACC_ROWS = 10240
ROWS_PER_TILE = ACC_ROWS // NS


def _sc_segment_sum(x, src_r, dst_r):
    mesh = plsc.VectorSubcoreMesh(
        core_axis_name="c", subcore_axis_name="s", num_cores=NC, num_subcores=NS
    )

    @functools.partial(
        pl.kernel,
        out_type=jax.ShapeDtypeStruct((NC, ACC_ROWS, D), jnp.float32),
        mesh=mesh,
        scratch_types=[
            pltpu.VMEM((EDGES_PER_W,), jnp.int32),
            pltpu.VMEM((DRING, CHUNK), jnp.int32),
            pltpu.VMEM((CHUNK, D), jnp.float32),
            pltpu.VMEM((CHUNK, D), jnp.float32),
            pltpu.VMEM((CHUNK, D), jnp.float32),
            pltpu.VMEM_SHARED((ACC_ROWS, D), jnp.float32),
            pltpu.SemaphoreType.DMA((NBUF,)),
            pltpu.SemaphoreType.DMA((NBUF,)),
            pltpu.SemaphoreType.DMA((DRING,)),
            pltpu.SemaphoreType.DMA,
        ],
    )
    def k(x_hbm, src_hbm, dst_hbm, out_hbm,
          src_v, dst_ring, rows0, rows1, rows2, acc, gsems, scsems, dsems, isem):
        bufs = (rows0, rows1, rows2)
        c = lax.axis_index("c")
        s = lax.axis_index("s")
        wid = s * NC + c

        ebase = pl.multiple_of(wid * EDGES_PER_W, 8)
        pltpu.async_copy(src_hbm.at[pl.ds(ebase, EDGES_PER_W)], src_v, isem)

        def _off(j):
            o = j * CHUNK
            return o if isinstance(o, int) else pl.multiple_of(o, 8)

        def start_dst(j, u):
            pltpu.async_copy(
                dst_hbm.at[pl.ds(pl.multiple_of(ebase + j * CHUNK, 8), CHUNK)],
                dst_ring.at[u],
                dsems.at[u],
            )

        def wait_dst(u):
            pltpu.make_async_copy(
                dst_hbm.at[pl.ds(0, CHUNK)], dst_ring.at[u], dsems.at[u]
            ).wait()

        for u in range(DRING - 1):
            start_dst(u, u)

        zeros16 = jnp.zeros((16,), jnp.float32)

        def zero_row(r, _):
            for kk in range(D // 16):
                rows0[r, pl.ds(kk * 16, 16)] = zeros16
            return _

        lax.fori_loop(0, CHUNK, zero_row, None)
        base = s * ROWS_PER_TILE
        nz = ROWS_PER_TILE // CHUNK
        for blk in range(nz):
            pltpu.async_copy(
                rows0, acc.at[pl.ds(base + blk * CHUNK, CHUNK)], gsems.at[blk % 2]
            )
        for blk in range(nz):
            pltpu.make_async_copy(
                rows0, acc.at[pl.ds(base + blk * CHUNK, CHUNK)], gsems.at[blk % 2]
            ).wait()
        pltpu.make_async_copy(src_hbm.at[pl.ds(0, EDGES_PER_W)], src_v, isem).wait()
        plsc.subcore_barrier()

        def start_gather(j, bb):
            pltpu.async_copy(
                x_hbm.at[src_v.at[pl.ds(_off(j), CHUNK)]],
                bufs[bb],
                gsems.at[bb],
            )

        def wait_gather(bb):
            pltpu.make_async_copy(
                x_hbm.at[src_v.at[pl.ds(0, CHUNK)]], bufs[bb], gsems.at[bb]
            ).wait()

        def start_scatter(bb, u):
            pltpu.async_copy(bufs[bb], acc.at[dst_ring.at[u]], scsems.at[bb], add=True)

        def wait_scatter(bb):
            pltpu.make_async_copy(
                bufs[bb], acc.at[dst_ring.at[0]], scsems.at[bb]
            ).wait()

        start_gather(0, 0)
        start_gather(1, 1)

        def chunk_step(j, u, jj):
            bb = u % NBUF

            def maybe(pred, fn):
                if jj is not None:
                    if pred(jj):
                        fn()
                else:
                    pl.when(pred(j))(fn)

            wait_gather(bb)
            wait_dst(u)
            start_scatter(bb, u)
            maybe(lambda t: t >= 1, lambda: wait_scatter((bb + 2) % NBUF))
            maybe(lambda t: t + DRING - 1 < NCHUNK,
                  lambda: start_dst(j + DRING - 1, (u + DRING - 1) % DRING))
            maybe(lambda t: t + 2 < NCHUNK,
                  lambda: start_gather(j + 2, (bb + 2) % NBUF))

        def group(g, _):
            for u in range(UNROLL):
                chunk_step(g * UNROLL + u, u, None)
            return _

        lax.fori_loop(0, NGROUP, group, None)
        for j in range(NGROUP * UNROLL, NCHUNK):
            chunk_step(j, j % DRING, j)
        wait_scatter((NCHUNK - 1) % NBUF)
        plsc.subcore_barrier()

        pltpu.sync_copy(
            acc.at[pl.ds(base, ROWS_PER_TILE)],
            out_hbm.at[c, pl.ds(base, ROWS_PER_TILE)],
        )

    return k(x, src_r, dst_r)


def _tc_linear(partials, W, b):
    BLK = 2000

    def body(p0_ref, p1_ref, w_ref, b_ref, out_ref):
        h = p0_ref[0] + p1_ref[0]
        out_ref[...] = (
            jax.lax.dot_general(
                h, w_ref[...], (((1,), (1,)), ((), ())),
                preferred_element_type=jnp.float32,
            )
            + b_ref[...]
        )

    return pl.pallas_call(
        body,
        out_shape=jax.ShapeDtypeStruct((N_NODES, D), jnp.float32),
        grid=(N_NODES // BLK,),
        in_specs=[
            pl.BlockSpec((1, BLK, D), lambda i: (0, i, 0)),
            pl.BlockSpec((1, BLK, D), lambda i: (1, i, 0)),
            pl.BlockSpec((D, D), lambda i: (0, 0)),
            pl.BlockSpec((1, D), lambda i: (0, 0)),
        ],
        out_specs=pl.BlockSpec((BLK, D), lambda i: (i, 0)),
    )(partials, partials, W, b)


@jax.jit
def kernel(x, edge_index, W, b):
    src = edge_index[0].astype(jnp.int32)
    dst = edge_index[1].astype(jnp.int32)
    partials = _sc_segment_sum(x, src, dst)
    return _tc_linear(partials, W, b.reshape(1, D))

# --- scband reference (transcript-rebuilt; emitter-appended) ---
"""Pipeline reference for scband-graph-conv-39728447488219 (READ-ONLY COPY).

The authoritative reference and input builder live on the scoring server;
editing this copy changes nothing except your own understanding.
"""

import jax, jax.numpy as jnp
import numpy as np

N_NODES = 10000
N_EDGES = 320000
D_IN = 128
D_OUT = 128

def setup_inputs(seed: int = 0) -> dict:
    key = jax.random.key(seed)
    k1, k2, k3, k4 = jax.random.split(key, 4)
    x = jax.random.normal(k1, (N_NODES, D_IN), dtype=jnp.float32)
    edge_index = jax.random.randint(k2, (2, N_EDGES), 0, N_NODES, dtype=jnp.int64)
    # nn.Linear params: W [out_feats, in_feats], b [out_feats]
    limit = 1.0 / np.sqrt(D_IN)
    W = jax.random.uniform(k3, (D_OUT, D_IN), dtype=jnp.float32, minval=-limit, maxval=limit)
    b = jax.random.uniform(k4, (D_OUT,), dtype=jnp.float32, minval=-limit, maxval=limit)
    return {"x": x, "edge_index": edge_index, "W": W, "b": b}

def reference(x, edge_index, W, b):
    # DGL update_all(copy_u('h','m'), sum('m','h')):
    # each edge copies the source node feature, destination sums incoming messages.
    src = edge_index[0]
    dst = edge_index[1]
    msgs = jnp.take(x, src, axis=0)                      # gather [E, D_IN]
    h = jax.ops.segment_sum(msgs, dst, num_segments=x.shape[0])  # scatter-add [N, D_IN]
    # nn.Linear
    out = h @ W.T + b
    return out

if __name__ == "__main__":
    import jax
    _d = setup_inputs()
    print(jax.jit(kernel)(*tuple(_d.values())))

</pallas_src>

<mosaic_0001>
#map = affine_map<(d0, d1) -> (0, 0)>
#map1 = affine_map<(d0, d1) -> (0)>
#map2 = affine_map<(d0, d1) -> (0, 0, 0)>
module attributes {stable_mosaic.version = 14 : i64} {
  func.func @k(%arg0: i32, %arg1: i32, %arg2: memref<10000x128xf32, #tpu.memory_space<hbm>>, %arg3: memref<320000xi32, #tpu.memory_space<hbm>>, %arg4: memref<320000xi32, #tpu.memory_space<hbm>>, %arg5: memref<2x10240x128xf32, #tpu.memory_space<hbm>>, %arg6: memref<10000xi32, #tpu.memory_space<vmem>>, %arg7: memref<6x80xi32, #tpu.memory_space<vmem>>, %arg8: memref<80x128xf32, #tpu.memory_space<vmem>>, %arg9: memref<80x128xf32, #tpu.memory_space<vmem>>, %arg10: memref<80x128xf32, #tpu.memory_space<vmem>>, %arg11: memref<10240x128xf32, #tpu.memory_space<vmem_shared>>, %arg12: memref<3x!tpu.dma_semaphore, #tpu.memory_space<semaphore_mem>>, %arg13: memref<3x!tpu.dma_semaphore, #tpu.memory_space<semaphore_mem>>, %arg14: memref<6x!tpu.dma_semaphore, #tpu.memory_space<semaphore_mem>>, %arg15: memref<!tpu.dma_semaphore, #tpu.memory_space<semaphore_mem>>) attributes {dimension_semantics = [#tpu.dimension_semantics<core_parallel>, #tpu.dimension_semantics<subcore_parallel>], iteration_bounds = array<i64: 2, 16>, scalar_prefetch = 0 : i64, scratch_operands = 10 : i64, tpu.core_type = #tpu.core_type<sc_vector_subcore>, window_params = [{transform_indices = #map}, {transform_indices = #map1}, {transform_indices = #map1}, {transform_indices = #map2}]} {
    %mul3A = arith.constant 2 : i32
    %mul3A_0 = arith.muli %arg1, %mul3A : i32
    %add3A = arith.addi %mul3A_0, %arg0 : i32
    %mul3A_1 = arith.constant 10000 : i32
    %mul3A_2 = arith.muli %add3A, %mul3A_1 : i32
    %multiple_of3A = tpu.assume_multiple %mul3A_2, 8 : i32
    %dma_start3A = tpu.memref_slice %arg3[%multiple_of3A] : memref<320000xi32, #tpu.memory_space<hbm>> -> memref<10000xi32, #tpu.memory_space<hbm>>
    %dma_start3A_3 = tpu.memref_slice %arg3[%multiple_of3A] : memref<320000xi32, #tpu.memory_space<hbm>> -> memref<10000xi32, #tpu.memory_space<hbm>>
    tpu.enqueue_dma source(%dma_start3A_3 : memref<10000xi32, #tpu.memory_space<hbm>>) target(%arg6 : memref<10000xi32, #tpu.memory_space<vmem>>) target_semaphore(%arg15 : memref<!tpu.dma_semaphore, #tpu.memory_space<semaphore_mem>>)
    %add3A_4 = arith.constant 0 : i32
    %add3A_5 = arith.addi %multiple_of3A, %add3A_4 : i32
    %multiple_of3A_6 = tpu.assume_multiple %add3A_5, 8 : i32
    %dma_start3A_7 = arith.constant 0 : i32
    %dma_start3A_8 = arith.constant 0 : i32
    %dma_start3A_9 = arith.constant 0 : i32
    %dma_start3A_10 = tpu.memref_slice %arg7[%dma_start3A_7, %dma_start3A_9] : memref<6x80xi32, #tpu.memory_space<vmem>> -> memref<1x80xi32, #tpu.memory_space<vmem>>
    %dma_start3A_11 = tpu.memref_squeeze %dma_start3A_10 : memref<1x80xi32, #tpu.memory_space<vmem>> -> memref<80xi32, #tpu.memory_space<vmem>>
    %dma_start3A_12 = tpu.memref_slice %arg4[%multiple_of3A_6] : memref<320000xi32, #tpu.memory_space<hbm>> -> memref<80xi32, #tpu.memory_space<hbm>>
    %dma_start3A_13 = tpu.memref_slice %arg14[%dma_start3A_8] : memref<6x!tpu.dma_semaphore, #tpu.memory_space<semaphore_mem>> -> memref<1x!tpu.dma_semaphore, #tpu.memory_space<semaphore_mem>>
    %dma_start3A_14 = tpu.memref_squeeze %dma_start3A_13 : memref<1x!tpu.dma_semaphore, #tpu.memory_space<semaphore_mem>> -> memref<!tpu.dma_semaphore, #tpu.memory_space<semaphore_mem>>
    %dma_start3A_15 = arith.constant 0 : i32
    %dma_start3A_16 = tpu.memref_slice %arg7[%dma_start3A_7, %dma_start3A_15] : memref<6x80xi32, #tpu.memory_space<vmem>> -> memref<1x80xi32, #tpu.memory_space<vmem>>
    %dma_start3A_17 = tpu.memref_squeeze %dma_start3A_16 : memref<1x80xi32, #tpu.memory_space<vmem>> -> memref<80xi32, #tpu.memory_space<vmem>>
    %dma_start3A_18 = tpu.memref_slice %arg4[%multiple_of3A_6] : memref<320000xi32, #tpu.memory_space<hbm>> -> memref<80xi32, #tpu.memory_space<hbm>>
    tpu.enqueue_dma source(%dma_start3A_18 : memref<80xi32, #tpu.memory_space<hbm>>) target(%dma_start3A_17 : memref<80xi32, #tpu.memory_space<vmem>>) target_semaphore(%dma_start3A_14 : memref<!tpu.dma_semaphore, #tpu.memory_space<semaphore_mem>>)
    %add3A_19 = arith.constant 80 : i32
    %add3A_20 = arith.addi %multiple_of3A, %add3A_19 : i32
    %multiple_of3A_21 = tpu.assume_multiple %add3A_20, 8 : i32
    %dma_start3A_22 = arith.constant 1 : i32
    %dma_start3A_23 = arith.constant 1 : i32
    %dma_start3A_24 = arith.constant 0 : i32
    %dma_start3A_25 = tpu.memref_slice %arg7[%dma_start3A_22, %dma_start3A_24] : memref<6x80xi32, #tpu.memory_space<vmem>> -> memref<1x80xi32, #tpu.memory_space<vmem>>
    %dma_start3A_26 = tpu.memref_squeeze %dma_start3A_25 : memref<1x80xi32, #tpu.memory_space<vmem>> -> memref<80xi32, #tpu.memory_space<vmem>>
    %dma_start3A_27 = tpu.memref_slice %arg4[%multiple_of3A_21] : memref<320000xi32, #tpu.memory_space<hbm>> -> memref<80xi32, #tpu.memory_space<hbm>>
    %dma_start3A_28 = tpu.memref_slice %arg14[%dma_start3A_23] : memref<6x!tpu.dma_semaphore, #tpu.memory_space<semaphore_mem>> -> memref<1x!tpu.dma_semaphore, #tpu.memory_space<semaphore_mem>>
    %dma_start3A_29 = tpu.memref_squeeze %dma_start3A_28 : memref<1x!tpu.dma_semaphore, #tpu.memory_space<semaphore_mem>> -> memref<!tpu.dma_semaphore, #tpu.memory_space<semaphore_mem>>
    %dma_start3A_30 = arith.constant 0 : i32
    %dma_start3A_31 = tpu.memref_slice %arg7[%dma_start3A_22, %dma_start3A_30] : memref<6x80xi32, #tpu.memory_space<vmem>> -> memref<1x80xi32, #tpu.memory_space<vmem>>
    %dma_start3A_32 = tpu.memref_squeeze %dma_start3A_31 : memref<1x80xi32, #tpu.memory_space<vmem>> -> memref<80xi32, #tpu.memory_space<vmem>>
    %dma_start3A_33 = tpu.memref_slice %arg4[%multiple_of3A_21] : memref<320000xi32, #tpu.memory_space<hbm>> -> memref<80xi32, #tpu.memory_space<hbm>>
    tpu.enqueue_dma source(%dma_start3A_33 : memref<80xi32, #tpu.memory_space<hbm>>) target(%dma_start3A_32 : memref<80xi32, #tpu.memory_space<vmem>>) target_semaphore(%dma_start3A_29 : memref<!tpu.dma_semaphore, #tpu.memory_space<semaphore_mem>>)
    %add3A_34 = arith.constant 160 : i32
    %add3A_35 = arith.addi %multiple_of3A, %add3A_34 : i32
    %multiple_of3A_36 = tpu.assume_multiple %add3A_35, 8 : i32
    %dma_start3A_37 = arith.constant 2 : i32
    %dma_start3A_38 = arith.constant 2 : i32
    %dma_start3A_39 = arith.constant 0 : i32
    %dma_start3A_40 = tpu.memref_slice %arg7[%dma_start3A_37, %dma_start3A_39] : memref<6x80xi32, #tpu.memory_space<vmem>> -> memref<1x80xi32, #tpu.memory_space<vmem>>
    %dma_start3A_41 = tpu.memref_squeeze %dma_start3A_40 : memref<1x80xi32, #tpu.memory_space<vmem>> -> memref<80xi32, #tpu.memory_space<vmem>>
    %dma_start3A_42 = tpu.memref_slice %arg4[%multiple_of3A_36] : memref<320000xi32, #tpu.memory_space<hbm>> -> memref<80xi32, #tpu.memory_space<hbm>>
    %dma_start3A_43 = tpu.memref_slice %arg14[%dma_start3A_38] : memref<6x!tpu.dma_semaphore, #tpu.memory_space<semaphore_mem>> -> memref<1x!tpu.dma_semaphore, #tpu.memory_space<semaphore_mem>>
    %dma_start3A_44 = tpu.memref_squeeze %dma_start3A_43 : memref<1x!tpu.dma_semaphore, #tpu.memory_space<semaphore_mem>> -> memref<!tpu.dma_semaphore, #tpu.memory_space<semaphore_mem>>
    %dma_start3A_45 = arith.constant 0 : i32
    %dma_start3A_46 = tpu.memref_slice %arg7[%dma_start3A_37, %dma_start3A_45] : memref<6x80xi32, #tpu.memory_space<vmem>> -> memref<1x80xi32, #tpu.memory_space<vmem>>
    %dma_start3A_47 = tpu.memref_squeeze %dma_start3A_46 : memref<1x80xi32, #tpu.memory_space<vmem>> -> memref<80xi32, #tpu.memory_space<vmem>>
    %dma_start3A_48 = tpu.memref_slice %arg4[%multiple_of3A_36] : memref<320000xi32, #tpu.memory_space<hbm>> -> memref<80xi32, #tpu.memory_space<hbm>>
    tpu.enqueue_dma source(%dma_start3A_48 : memref<80xi32, #tpu.memory_space<hbm>>) target(%dma_start3A_47 : memref<80xi32, #tpu.memory_space<vmem>>) target_semaphore(%dma_start3A_44 : memref<!tpu.dma_semaphore, #tpu.memory_space<semaphore_mem>>)
    %add3A_49 = arith.constant 240 : i32
    %add3A_50 = arith.addi %multiple_of3A, %add3A_49 : i32
    %multiple_of3A_51 = tpu.assume_multiple %add3A_50, 8 : i32
    %dma_start3A_52 = arith.constant 3 : i32
    %dma_start3A_53 = arith.constant 3 : i32
    %dma_start3A_54 = arith.constant 0 : i32
    %dma_start3A_55 = tpu.memref_slice %arg7[%dma_start3A_52, %dma_start3A_54] : memref<6x80xi32, #tpu.memory_space<vmem>> -> memref<1x80xi32, #tpu.memory_space<vmem>>
    %dma_start3A_56 = tpu.memref_squeeze %dma_start3A_55 : memref<1x80xi32, #tpu.memory_space<vmem>> -> memref<80xi32, #tpu.memory_space<vmem>>
    %dma_start3A_57 = tpu.memref_slice %arg4[%multiple_of3A_51] : memref<320000xi32, #tpu.memory_space<hbm>> -> memref<80xi32, #tpu.memory_space<hbm>>
    %dma_start3A_58 = tpu.memref_slice %arg14[%dma_start3A_53] : memref<6x!tpu.dma_semaphore, #tpu.memory_space<semaphore_mem>> -> memref<1x!tpu.dma_semaphore, #tpu.memory_space<semaphore_mem>>
    %dma_start3A_59 = tpu.memref_squeeze %dma_start3A_58 : memref<1x!tpu.dma_semaphore, #tpu.memory_space<semaphore_mem>> -> memref<!tpu.dma_semaphore, #tpu.memory_space<semaphore_mem>>
    %dma_start3A_60 = arith.constant 0 : i32
    %dma_start3A_61 = tpu.memref_slice %arg7[%dma_start3A_52, %dma_start3A_60] : memref<6x80xi32, #tpu.memory_space<vmem>> -> memref<1x80xi32, #tpu.memory_space<vmem>>
    %dma_start3A_62 = tpu.memref_squeeze %dma_start3A_61 : memref<1x80xi32, #tpu.memory_space<vmem>> -> memref<80xi32, #tpu.memory_space<vmem>>
    %dma_start3A_63 = tpu.memref_slice %arg4[%multiple_of3A_51] : memref<320000xi32, #tpu.memory_space<hbm>> -> memref<80xi32, #tpu.memory_space<hbm>>
    tpu.enqueue_dma source(%dma_start3A_63 : memref<80xi32, #tpu.memory_space<hbm>>) target(%dma_start3A_62 : memref<80xi32, #tpu.memory_space<vmem>>) target_semaphore(%dma_start3A_59 : memref<!tpu.dma_semaphore, #tpu.memory_space<semaphore_mem>>)
    %add3A_64 = arith.constant 320 : i32
    %add3A_65 = arith.addi %multiple_of3A, %add3A_64 : i32
    %multiple_of3A_66 = tpu.assume_multiple %add3A_65, 8 : i32
    %dma_start3A_67 = arith.constant 4 : i32
    %dma_start3A_68 = arith.constant 4 : i32
    %dma_start3A_69 = arith.constant 0 : i32
    %dma_start3A_70 = tpu.memref_slice %arg7[%dma_start3A_67, %dma_start3A_69] : memref<6x80xi32, #tpu.memory_space<vmem>> -> memref<1x80xi32, #tpu.memory_space<vmem>>
    %dma_start3A_71 = tpu.memref_squeeze %dma_start3A_70 : memref<1x80xi32, #tpu.memory_space<vmem>> -> memref<80xi32, #tpu.memory_space<vmem>>
    %dma_start3A_72 = tpu.memref_slice %arg4[%multiple_of3A_66] : memref<320000xi32, #tpu.memory_space<hbm>> -> memref<80xi32, #tpu.memory_space<hbm>>
    %dma_start3A_73 = tpu.memref_slice %arg14[%dma_start3A_68] : memref<6x!tpu.dma_semaphore, #tpu.memory_space<semaphore_mem>> -> memref<1x!tpu.dma_semaphore, #tpu.memory_space<semaphore_mem>>
    %dma_start3A_74 = tpu.memref_squeeze %dma_start3A_73 : memref<1x!tpu.dma_semaphore, #tpu.memory_space<semaphore_mem>> -> memref<!tpu.dma_semaphore, #tpu.memory_space<semaphore_mem>>
    %dma_start3A_75 = arith.constant 0 : i32
    %dma_start3A_76 = tpu.memref_slice %arg7[%dma_start3A_67, %dma_start3A_75] : memref<6x80xi32, #tpu.memory_space<vmem>> -> memref<1x80xi32, #tpu.memory_space<vmem>>
    %dma_start3A_77 = tpu.memref_squeeze %dma_start3A_76 : memref<1x80xi32, #tpu.memory_space<vmem>> -> memref<80xi32, #tpu.memory_space<vmem>>
    %dma_start3A_78 = tpu.memref_slice %arg4[%multiple_of3A_66] : memref<320000xi32, #tpu.memory_space<hbm>> -> memref<80xi32, #tpu.memory_space<hbm>>
    tpu.enqueue_dma source(%dma_start3A_78 : memref<80xi32, #tpu.memory_space<hbm>>) target(%dma_start3A_77 : memref<80xi32, #tpu.memory_space<vmem>>) target_semaphore(%dma_start3A_74 : memref<!tpu.dma_semaphore, #tpu.memory_space<semaphore_mem>>)
    %broadcast_in_dim3A = arith.constant 0.000000e+00 : f32
    %broadcast_in_dim3A_79 = vector.broadcast %broadcast_in_dim3A : f32 to vector<16xf32>
    %scan3A = arith.constant 0 : i32
    %scan3A_80 = arith.constant 80 : i32
    %scan3A_81 = arith.addi %scan3A, %scan3A_80 : i32
    %scan3A_82 = arith.constant 1 : i32
    scf.for %scan3A_499 = %scan3A to %scan3A_81 step %scan3A_82  : i32 {
      %swap3A = arith.index_cast %scan3A_499 : i32 to index
      %swap3A_500 = arith.constant 0 : index
      %swap3A_501 = tpu.vector_load %arg8[%swap3A, %swap3A_500] {strides = array<i32>} : memref<80x128xf32, #tpu.memory_space<vmem>>, vector<1x16xf32>,
      %swap3A_502 = vector.shape_cast %swap3A_501 : vector<1x16xf32> to vector<16xf32>
      %swap3A_503 = vector.shape_cast %broadcast_in_dim3A_79 : vector<16xf32> to vector<1x16xf32>
      tpu.vector_store %arg8[%swap3A, %swap3A_500], %swap3A_503 {strides = array<i32>} : memref<80x128xf32, #tpu.memory_space<vmem>>, vector<1x16xf32>,
      %swap3A_504 = arith.index_cast %scan3A_499 : i32 to index
      %swap3A_505 = arith.constant 16 : index
      %swap3A_506 = tpu.vector_load %arg8[%swap3A_504, %swap3A_505] {strides = array<i32>} : memref<80x128xf32, #tpu.memory_space<vmem>>, vector<1x16xf32>,
      %swap3A_507 = vector.shape_cast %swap3A_506 : vector<1x16xf32> to vector<16xf32>
      %swap3A_508 = vector.shape_cast %broadcast_in_dim3A_79 : vector<16xf32> to vector<1x16xf32>
      tpu.vector_store %arg8[%swap3A_504, %swap3A_505], %swap3A_508 {strides = array<i32>} : memref<80x128xf32, #tpu.memory_space<vmem>>, vector<1x16xf32>,
      %swap3A_509 = arith.index_cast %scan3A_499 : i32 to index
      %swap3A_510 = arith.constant 32 : index
      %swap3A_511 = tpu.vector_load %arg8[%swap3A_509, %swap3A_510] {strides = array<i32>} : memref<80x128xf32, #tpu.memory_space<vmem>>, vector<1x16xf32>,
      %swap3A_512 = vector.shape_cast %swap3A_511 : vector<1x16xf32> to vector<16xf32>
      %swap3A_513 = vector.shape_cast %broadcast_in_dim3A_79 : vector<16xf32> to vector<1x16xf32>
      tpu.vector_store %arg8[%swap3A_509, %swap3A_510], %swap3A_513 {strides = array<i32>} : memref<80x128xf32, #tpu.memory_space<vmem>>, vector<1x16xf32>,
      %swap3A_514 = arith.index_cast %scan3A_499 : i32 to index
      %swap3A_515 = arith.constant 48 : index
      %swap3A_516 = tpu.vector_load %arg8[%swap3A_514, %swap3A_515] {strides = array<i32>} : memref<80x128xf32, #tpu.memory_space<vmem>>, vector<1x16xf32>,
      %swap3A_517 = vector.shape_cast %swap3A_516 : vector<1x16xf32> to vector<16xf32>
      %swap3A_518 = vector.shape_cast %broadcast_in_dim3A_79 : vector<16xf32> to vector<1x16xf32>
      tpu.vector_store %arg8[%swap3A_514, %swap3A_515], %swap3A_518 {strides = array<i32>} : memref<80x128xf32, #tpu.memory_space<vmem>>, vector<1x16xf32>,
      %swap3A_519 = arith.index_cast %scan3A_499 : i32 to index
      %swap3A_520 = arith.constant 64 : index
      %swap3A_521 = tpu.vector_load %arg8[%swap3A_519, %swap3A_520] {strides = array<i32>} : memref<80x128xf32, #tpu.memory_space<vmem>>, vector<1x16xf32>,
      %swap3A_522 = vector.shape_cast %swap3A_521 : vector<1x16xf32> to vector<16xf32>
      %swap3A_523 = vector.shape_cast %broadcast_in_dim3A_79 : vector<16xf32> to vector<1x16xf32>
      tpu.vector_store %arg8[%swap3A_519, %swap3A_520], %swap3A_523 {strides = array<i32>} : memref<80x128xf32, #tpu.memory_space<vmem>>, vector<1x16xf32>,
      %swap3A_524 = arith.index_cast %scan3A_499 : i32 to index
      %swap3A_525 = arith.constant 80 : index
      %swap3A_526 = tpu.vector_load %arg8[%swap3A_524, %swap3A_525] {strides = array<i32>} : memref<80x128xf32, #tpu.memory_space<vmem>>, vector<1x16xf32>,
      %swap3A_527 = vector.shape_cast %swap3A_526 : vector<1x16xf32> to vector<16xf32>
      %swap3A_528 = vector.shape_cast %broadcast_in_dim3A_79 : vector<16xf32> to vector<1x16xf32>
      tpu.vector_store %arg8[%swap3A_524, %swap3A_525], %swap3A_528 {strides = array<i32>} : memref<80x128xf32, #tpu.memory_space<vmem>>, vector<1x16xf32>,
      %swap3A_529 = arith.index_cast %scan3A_499 : i32 to index
      %swap3A_530 = arith.constant 96 : index
      %swap3A_531 = tpu.vector_load %arg8[%swap3A_529, %swap3A_530] {strides = array<i32>} : memref<80x128xf32, #tpu.memory_space<vmem>>, vector<1x16xf32>,
      %swap3A_532 = vector.shape_cast %swap3A_531 : vector<1x16xf32> to vector<16xf32>
      %swap3A_533 = vector.shape_cast %broadcast_in_dim3A_79 : vector<16xf32> to vector<1x16xf32>
      tpu.vector_store %arg8[%swap3A_529, %swap3A_530], %swap3A_533 {strides = array<i32>} : memref<80x128xf32, #tpu.memory_space<vmem>>, vector<1x16xf32>,
      %swap3A_534 = arith.index_cast %scan3A_499 : i32 to index
      %swap3A_535 = arith.constant 112 : index
      %swap3A_536 = tpu.vector_load %arg8[%swap3A_534, %swap3A_535] {strides = array<i32>} : memref<80x128xf32, #tpu.memory_space<vmem>>, vector<1x16xf32>,
      %swap3A_537 = vector.shape_cast %swap3A_536 : vector<1x16xf32> to vector<16xf32>
      %swap3A_538 = vector.shape_cast %broadcast_in_dim3A_79 : vector<16xf32> to vector<1x16xf32>
      tpu.vector_store %arg8[%swap3A_534, %swap3A_535], %swap3A_538 {strides = array<i32>} : memref<80x128xf32, #tpu.memory_space<vmem>>, vector<1x16xf32>,
    }
    %scan3A_83 = arith.constant 80 : i32
    %mul3A_84 = arith.constant 640 : i32
    %mul3A_85 = arith.muli %arg1, %mul3A_84 : i32
    %add3A_86 = arith.constant 0 : i32
    %add3A_87 = arith.addi %mul3A_85, %add3A_86 : i32
    %dma_start3A_88 = arith.constant 0 : i32
    %dma_start3A_89 = arith.constant 0 : i32
    %dma_start3A_90 = tpu.memref_slice %arg11[%add3A_87, %dma_start3A_89] : memref<10240x128xf32, #tpu.memory_space<vmem_shared>> -> memref<80x128xf32, #tpu.memory_space<vmem_shared>>
    %dma_start3A_91 = tpu.memref_slice %arg12[%dma_start3A_88] : memref<3x!tpu.dma_semaphore, #tpu.memory_space<semaphore_mem>> -> memref<1x!tpu.dma_semaphore, #tpu.memory_space<semaphore_mem>>
    %dma_start3A_92 = tpu.memref_squeeze %dma_start3A_91 : memref<1x!tpu.dma_semaphore, #tpu.memory_space<semaphore_mem>> -> memref<!tpu.dma_semaphore, #tpu.memory_space<semaphore_mem>>
    %dma_start3A_93 = arith.constant 0 : i32
    %dma_start3A_94 = tpu.memref_slice %arg11[%add3A_87, %dma_start3A_93] : memref<10240x128xf32, #tpu.memory_space<vmem_shared>> -> memref<80x128xf32, #tpu.memory_space<vmem_shared>>
    tpu.enqueue_dma source(%arg8 : memref<80x128xf32, #tpu.memory_space<vmem>>) target(%dma_start3A_94 : memref<80x128xf32, #tpu.memory_space<vmem_shared>>) target_semaphore(%dma_start3A_92 : memref<!tpu.dma_semaphore, #tpu.memory_space<semaphore_mem>>)
    %add3A_95 = arith.constant 80 : i32
    %add3A_96 = arith.addi %mul3A_85, %add3A_95 : i32
    %dma_start3A_97 = arith.constant 1 : i32
    %dma_start3A_98 = arith.constant 0 : i32
    %dma_start3A_99 = tpu.memref_slice %arg11[%add3A_96, %dma_start3A_98] : memref<10240x128xf32, #tpu.memory_space<vmem_shared>> -> memref<80x128xf32, #tpu.memory_space<vmem_shared>>
    %dma_start3A_100 = tpu.memref_slice %arg12[%dma_start3A_97] : memref<3x!tpu.dma_semaphore, #tpu.memory_space<semaphore_mem>> -> memref<1x!tpu.dma_semaphore, #tpu.memory_space<semaphore_mem>>
    %dma_start3A_101 = tpu.memref_squeeze %dma_start3A_100 : memref<1x!tpu.dma_semaphore, #tpu.memory_space<semaphore_mem>> -> memref<!tpu.dma_semaphore, #tpu.memory_space<semaphore_mem>>
    %dma_start3A_102 = arith.constant 0 : i32
    %dma_start3A_103 = tpu.memref_slice %arg11[%add3A_96, %dma_start3A_102] : memref<10240x128xf32, #tpu.memory_space<vmem_shared>> -> memref<80x128xf32, #tpu.memory_space<vmem_shared>>
    tpu.enqueue_dma source(%arg8 : memref<80x128xf32, #tpu.memory_space<vmem>>) target(%dma_start3A_103 : memref<80x128xf32, #tpu.memory_space<vmem_shared>>) target_semaphore(%dma_start3A_101 : memref<!tpu.dma_semaphore, #tpu.memory_space<semaphore_mem>>)
    %add3A_104 = arith.constant 160 : i32
    %add3A_105 = arith.addi %mul3A_85, %add3A_104 : i32
    %dma_start3A_106 = arith.constant 0 : i32
    %dma_start3A_107 = arith.constant 0 : i32
    %dma_start3A_108 = tpu.memref_slice %arg11[%add3A_105, %dma_start3A_107] : memref<10240x128xf32, #tpu.memory_space<vmem_shared>> -> memref<80x128xf32, #tpu.memory_space<vmem_shared>>
    %dma_start3A_109 = tpu.memref_slice %arg12[%dma_start3A_106] : memref<3x!tpu.dma_semaphore, #tpu.memory_space<semaphore_mem>> -> memref<1x!tpu.dma_semaphore, #tpu.memory_space<semaphore_mem>>
    %dma_start3A_110 = tpu.memref_squeeze %dma_start3A_109 : memref<1x!tpu.dma_semaphore, #tpu.memory_space<semaphore_mem>> -> memref<!tpu.dma_semaphore, #tpu.memory_space<semaphore_mem>>
    %dma_start3A_111 = arith.constant 0 : i32
    %dma_start3A_112 = tpu.memref_slice %arg11[%add3A_105, %dma_start3A_111] : memref<10240x128xf32, #tpu.memory_space<vmem_shared>> -> memref<80x128xf32, #tpu.memory_space<vmem_shared>>
    tpu.enqueue_dma source(%arg8 : memref<80x128xf32, #tpu.memory_space<vmem>>) target(%dma_start3A_112 : memref<80x128xf32, #tpu.memory_space<vmem_shared>>) target_semaphore(%dma_start3A_110 : memref<!tpu.dma_semaphore, #tpu.memory_space<semaphore_mem>>)
    %add3A_113 = arith.constant 240 : i32
    %add3A_114 = arith.addi %mul3A_85, %add3A_113 : i32
    %dma_start3A_115 = arith.constant 1 : i32
    %dma_start3A_116 = arith.constant 0 : i32
    %dma_start3A_117 = tpu.memref_slice %arg11[%add3A_114, %dma_start3A_116] : memref<10240x128xf32, #tpu.memory_space<vmem_shared>> -> memref<80x128xf32, #tpu.memory_space<vmem_shared>>
    %dma_start3A_118 = tpu.memref_slice %arg12[%dma_start3A_115] : memref<3x!tpu.dma_semaphore, #tpu.memory_space<semaphore_mem>> -> memref<1x!tpu.dma_semaphore, #tpu.memory_space<semaphore_mem>>
    %dma_start3A_119 = tpu.memref_squeeze %dma_start3A_118 : memref<1x!tpu.dma_semaphore, #tpu.memory_space<semaphore_mem>> -> memref<!tpu.dma_semaphore, #tpu.memory_space<semaphore_mem>>
    %dma_start3A_120 = arith.constant 0 : i32
    %dma_start3A_121 = tpu.memref_slice %arg11[%add3A_114, %dma_start3A_120] : memref<10240x128xf32, #tpu.memory_space<vmem_shared>> -> memref<80x128xf32, #tpu.memory_space<vmem_shared>>
    tpu.enqueue_dma source(%arg8 : memref<80x128xf32, #tpu.memory_space<vmem>>) target(%dma_start3A_121 : memref<80x128xf32, #tpu.memory_space<vmem_shared>>) target_semaphore(%dma_start3A_119 : memref<!tpu.dma_semaphore, #tpu.memory_space<semaphore_mem>>)
    %add3A_122 = arith.constant 320 : i32
    %add3A_123 = arith.addi %mul3A_85, %add3A_122 : i32
    %dma_start3A_124 = arith.constant 0 : i32
    %dma_start3A_125 = arith.constant 0 : i32
    %dma_start3A_126 = tpu.memref_slice %arg11[%add3A_123, %dma_start3A_125] : memref<10240x128xf32, #tpu.memory_space<vmem_shared>> -> memref<80x128xf32, #tpu.memory_space<vmem_shared>>
    %dma_start3A_127 = tpu.memref_slice %arg12[%dma_start3A_124] : memref<3x!tpu.dma_semaphore, #tpu.memory_space<semaphore_mem>> -> memref<1x!tpu.dma_semaphore, #tpu.memory_space<semaphore_mem>>
    %dma_start3A_128 = tpu.memref_squeeze %dma_start3A_127 : memref<1x!tpu.dma_semaphore, #tpu.memory_space<semaphore_mem>> -> memref<!tpu.dma_semaphore, #tpu.memory_space<semaphore_mem>>
    %dma_start3A_129 = arith.constant 0 : i32
    %dma_start3A_130 = tpu.memref_slice %arg11[%add3A_123, %dma_start3A_129] : memref<10240x128xf32, #tpu.memory_space<vmem_shared>> -> memref<80x128xf32, #tpu.memory_space<vmem_shared>>
    tpu.enqueue_dma source(%arg8 : memref<80x128xf32, #tpu.memory_space<vmem>>) target(%dma_start3A_130 : memref<80x128xf32, #tpu.memory_space<vmem_shared>>) target_semaphore(%dma_start3A_128 : memref<!tpu.dma_semaphore, #tpu.memory_space<semaphore_mem>>)
    %add3A_131 = arith.constant 400 : i32
    %add3A_132 = arith.addi %mul3A_85, %add3A_131 : i32
    %dma_start3A_133 = arith.constant 1 : i32
    %dma_start3A_134 = arith.constant 0 : i32
    %dma_start3A_135 = tpu.memref_slice %arg11[%add3A_132, %dma_start3A_134] : memref<10240x128xf32, #tpu.memory_space<vmem_shared>> -> memref<80x128xf32, #tpu.memory_space<vmem_shared>>
    %dma_start3A_136 = tpu.memref_slice %arg12[%dma_start3A_133] : memref<3x!tpu.dma_semaphore, #tpu.memory_space<semaphore_mem>> -> memref<1x!tpu.dma_semaphore, #tpu.memory_space<semaphore_mem>>
    %dma_start3A_137 = tpu.memref_squeeze %dma_start3A_136 : memref<1x!tpu.dma_semaphore, #tpu.memory_space<semaphore_mem>> -> memref<!tpu.dma_semaphore, #tpu.memory_space<semaphore_mem>>
    %dma_start3A_138 = arith.constant 0 : i32
    %dma_start3A_139 = tpu.memref_slice %arg11[%add3A_132, %dma_start3A_138] : memref<10240x128xf32, #tpu.memory_space<vmem_shared>> -> memref<80x128xf32, #tpu.memory_space<vmem_shared>>
    tpu.enqueue_dma source(%arg8 : memref<80x128xf32, #tpu.memory_space<vmem>>) target(%dma_start3A_139 : memref<80x128xf32, #tpu.memory_space<vmem_shared>>) target_semaphore(%dma_start3A_137 : memref<!tpu.dma_semaphore, #tpu.memory_space<semaphore_mem>>)
    %add3A_140 = arith.constant 480 : i32
    %add3A_141 = arith.addi %mul3A_85, %add3A_140 : i32
    %dma_start3A_142 = arith.constant 0 : i32
    %dma_start3A_143 = arith.constant 0 : i32
    %dma_start3A_144 = tpu.memref_slice %arg11[%add3A_141, %dma_start3A_143] : memref<10240x128xf32, #tpu.memory_space<vmem_shared>> -> memref<80x128xf32, #tpu.memory_space<vmem_shared>>
    %dma_start3A_145 = tpu.memref_slice %arg12[%dma_start3A_142] : memref<3x!tpu.dma_semaphore, #tpu.memory_space<semaphore_mem>> -> memref<1x!tpu.dma_semaphore, #tpu.memory_space<semaphore_mem>>
    %dma_start3A_146 = tpu.memref_squeeze %dma_start3A_145 : memref<1x!tpu.dma_semaphore, #tpu.memory_space<semaphore_mem>> -> memref<!tpu.dma_semaphore, #tpu.memory_space<semaphore_mem>>
    %dma_start3A_147 = arith.constant 0 : i32
    %dma_start3A_148 = tpu.memref_slice %arg11[%add3A_141, %dma_start3A_147] : memref<10240x128xf32, #tpu.memory_space<vmem_shared>> -> memref<80x128xf32, #tpu.memory_space<vmem_shared>>
    tpu.enqueue_dma source(%arg8 : memref<80x128xf32, #tpu.memory_space<vmem>>) target(%dma_start3A_148 : memref<80x128xf32, #tpu.memory_space<vmem_shared>>) target_semaphore(%dma_start3A_146 : memref<!tpu.dma_semaphore, #tpu.memory_space<semaphore_mem>>)
    %add3A_149 = arith.constant 560 : i32
    %add3A_150 = arith.addi %mul3A_85, %add3A_149 : i32
    %dma_start3A_151 = arith.constant 1 : i32
    %dma_start3A_152 = arith.constant 0 : i32
    %dma_start3A_153 = tpu.memref_slice %arg11[%add3A_150, %dma_start3A_152] : memref<10240x128xf32, #tpu.memory_space<vmem_shared>> -> memref<80x128xf32, #tpu.memory_space<vmem_shared>>
    %dma_start3A_154 = tpu.memref_slice %arg12[%dma_start3A_151] : memref<3x!tpu.dma_semaphore, #tpu.memory_space<semaphore_mem>> -> memref<1x!tpu.dma_semaphore, #tpu.memory_space<semaphore_mem>>
    %dma_start3A_155 = tpu.memref_squeeze %dma_start3A_154 : memref<1x!tpu.dma_semaphore, #tpu.memory_space<semaphore_mem>> -> memref<!tpu.dma_semaphore, #tpu.memory_space<semaphore_mem>>
    %dma_start3A_156 = arith.constant 0 : i32
    %dma_start3A_157 = tpu.memref_slice %arg11[%add3A_150, %dma_start3A_156] : memref<10240x128xf32, #tpu.memory_space<vmem_shared>> -> memref<80x128xf32, #tpu.memory_space<vmem_shared>>
    tpu.enqueue_dma source(%arg8 : memref<80x128xf32, #tpu.memory_space<vmem>>) target(%dma_start3A_157 : memref<80x128xf32, #tpu.memory_space<vmem_shared>>) target_semaphore(%dma_start3A_155 : memref<!tpu.dma_semaphore, #tpu.memory_space<semaphore_mem>>)
    %add3A_158 = arith.constant 0 : i32
    %add3A_159 = arith.addi %mul3A_85, %add3A_158 : i32
    %dma_wait3A = arith.constant 0 : i32
    %dma_wait3A_160 = arith.constant 0 : i32
    %dma_wait3A_161 = tpu.memref_slice %arg11[%add3A_159, %dma_wait3A_160] : memref<10240x128xf32, #tpu.memory_space<vmem_shared>> -> memref<80x128xf32, #tpu.memory_space<vmem_shared>>
    %dma_wait3A_162 = tpu.memref_slice %arg12[%dma_wait3A] : memref<3x!tpu.dma_semaphore, #tpu.memory_space<semaphore_mem>> -> memref<1x!tpu.dma_semaphore, #tpu.memory_space<semaphore_mem>>
    %dma_wait3A_163 = tpu.memref_squeeze %dma_wait3A_162 : memref<1x!tpu.dma_semaphore, #tpu.memory_space<semaphore_mem>> -> memref<!tpu.dma_semaphore, #tpu.memory_space<semaphore_mem>>
    %dma_wait3A_164 = arith.constant 0 : i32
    %dma_wait3A_165 = tpu.memref_slice %arg11[%add3A_159, %dma_wait3A_164] : memref<10240x128xf32, #tpu.memory_space<vmem_shared>> -> memref<80x128xf32, #tpu.memory_space<vmem_shared>>
    tpu.wait_dma2 semaphore(%dma_wait3A_163 : memref<!tpu.dma_semaphore, #tpu.memory_space<semaphore_mem>>) src(%arg8 : memref<80x128xf32, #tpu.memory_space<vmem>>) dst(%dma_wait3A_165 : memref<80x128xf32, #tpu.memory_space<vmem_shared>>)
    %add3A_166 = arith.constant 80 : i32
    %add3A_167 = arith.addi %mul3A_85, %add3A_166 : i32
    %dma_wait3A_168 = arith.constant 1 : i32
    %dma_wait3A_169 = arith.constant 0 : i32
    %dma_wait3A_170 = tpu.memref_slice %arg11[%add3A_167, %dma_wait3A_169] : memref<10240x128xf32, #tpu.memory_space<vmem_shared>> -> memref<80x128xf32, #tpu.memory_space<vmem_shared>>
    %dma_wait3A_171 = tpu.memref_slice %arg12[%dma_wait3A_168] : memref<3x!tpu.dma_semaphore, #tpu.memory_space<semaphore_mem>> -> memref<1x!tpu.dma_semaphore, #tpu.memory_space<semaphore_mem>>
    %dma_wait3A_172 = tpu.memref_squeeze %dma_wait3A_171 : memref<1x!tpu.dma_semaphore, #tpu.memory_space<semaphore_mem>> -> memref<!tpu.dma_semaphore, #tpu.memory_space<semaphore_mem>>
    %dma_wait3A_173 = arith.constant 0 : i32
    %dma_wait3A_174 = tpu.memref_slice %arg11[%add3A_167, %dma_wait3A_173] : memref<10240x128xf32, #tpu.memory_space<vmem_shared>> -> memref<80x128xf32, #tpu.memory_space<vmem_shared>>
    tpu.wait_dma2 semaphore(%dma_wait3A_172 : memref<!tpu.dma_semaphore, #tpu.memory_space<semaphore_mem>>) src(%arg8 : memref<80x128xf32, #tpu.memory_space<vmem>>) dst(%dma_wait3A_174 : memref<80x128xf32, #tpu.memory_space<vmem_shared>>)
    %add3A_175 = arith.constant 160 : i32
    %add3A_176 = arith.addi %mul3A_85, %add3A_175 : i32
    %dma_wait3A_177 = arith.constant 0 : i32
    %dma_wait3A_178 = arith.constant 0 : i32
    %dma_wait3A_179 = tpu.memref_slice %arg11[%add3A_176, %dma_wait3A_178] : memref<10240x128xf32, #tpu.memory_space<vmem_shared>> -> memref<80x128xf32, #tpu.memory_space<vmem_shared>>
    %dma_wait3A_180 = tpu.memref_slice %arg12[%dma_wait3A_177] : memref<3x!tpu.dma_semaphore, #tpu.memory_space<semaphore_mem>> -> memref<1x!tpu.dma_semaphore, #tpu.memory_space<semaphore_mem>>
    %dma_wait3A_181 = tpu.memref_squeeze %dma_wait3A_180 : memref<1x!tpu.dma_semaphore, #tpu.memory_space<semaphore_mem>> -> memref<!tpu.dma_semaphore, #tpu.memory_space<semaphore_mem>>
    %dma_wait3A_182 = arith.constant 0 : i32
    %dma_wait3A_183 = tpu.memref_slice %arg11[%add3A_176, %dma_wait3A_182] : memref<10240x128xf32, #tpu.memory_space<vmem_shared>> -> memref<80x128xf32, #tpu.memory_space<vmem_shared>>
    tpu.wait_dma2 semaphore(%dma_wait3A_181 : memref<!tpu.dma_semaphore, #tpu.memory_space<semaphore_mem>>) src(%arg8 : memref<80x128xf32, #tpu.memory_space<vmem>>) dst(%dma_wait3A_183 : memref<80x128xf32, #tpu.memory_space<vmem_shared>>)
    %add3A_184 = arith.constant 240 : i32
    %add3A_185 = arith.addi %mul3A_85, %add3A_184 : i32
    %dma_wait3A_186 = arith.constant 1 : i32
    %dma_wait3A_187 = arith.constant 0 : i32
    %dma_wait3A_188 = tpu.memref_slice %arg11[%add3A_185, %dma_wait3A_187] : memref<10240x128xf32, #tpu.memory_space<vmem_shared>> -> memref<80x128xf32, #tpu.memory_space<vmem_shared>>
    %dma_wait3A_189 = tpu.memref_slice %arg12[%dma_wait3A_186] : memref<3x!tpu.dma_semaphore, #tpu.memory_space<semaphore_mem>> -> memref<1x!tpu.dma_semaphore, #tpu.memory_space<semaphore_mem>>
    %dma_wait3A_190 = tpu.memref_squeeze %dma_wait3A_189 : memref<1x!tpu.dma_semaphore, #tpu.memory_space<semaphore_mem>> -> memref<!tpu.dma_semaphore, #tpu.memory_space<semaphore_mem>>
    %dma_wait3A_191 = arith.constant 0 : i32
    %dma_wait3A_192 = tpu.memref_slice %arg11[%add3A_185, %dma_wait3A_191] : memref<10240x128xf32, #tpu.memory_space<vmem_shared>> -> memref<80x128xf32, #tpu.memory_space<vmem_shared>>
    tpu.wait_dma2 semaphore(%dma_wait3A_190 : memref<!tpu.dma_semaphore, #tpu.memory_space<semaphore_mem>>) src(%arg8 : memref<80x128xf32, #tpu.memory_space<vmem>>) dst(%dma_wait3A_192 : memref<80x128xf32, #tpu.memory_space<vmem_shared>>)
    %add3A_193 = arith.constant 320 : i32
    %add3A_194 = arith.addi %mul3A_85, %add3A_193 : i32
    %dma_wait3A_195 = arith.constant 0 : i32
    %dma_wait3A_196 = arith.constant 0 : i32
    %dma_wait3A_197 = tpu.memref_slice %arg11[%add3A_194, %dma_wait3A_196] : memref<10240x128xf32, #tpu.memory_space<vmem_shared>> -> memref<80x128xf32, #tpu.memory_space<vmem_shared>>
    %dma_wait3A_198 = tpu.memref_slice %arg12[%dma_wait3A_195] : memref<3x!tpu.dma_semaphore, #tpu.memory_space<semaphore_mem>> -> memref<1x!tpu.dma_semaphore, #tpu.memory_space<semaphore_mem>>
    %dma_wait3A_199 = tpu.memref_squeeze %dma_wait3A_198 : memref<1x!tpu.dma_semaphore, #tpu.memory_space<semaphore_mem>> -> memref<!tpu.dma_semaphore, #tpu.memory_space<semaphore_mem>>
    %dma_wait3A_200 = arith.constant 0 : i32
    %dma_wait3A_201 = tpu.memref_slice %arg11[%add3A_194, %dma_wait3A_200] : memref<10240x128xf32, #tpu.memory_space<vmem_shared>> -> memref<80x128xf32, #tpu.memory_space<vmem_shared>>
    tpu.wait_dma2 semaphore(%dma_wait3A_199 : memref<!tpu.dma_semaphore, #tpu.memory_space<semaphore_mem>>) src(%arg8 : memref<80x128xf32, #tpu.memory_space<vmem>>) dst(%dma_wait3A_201 : memref<80x128xf32, #tpu.memory_space<vmem_shared>>)
    %add3A_202 = arith.constant 400 : i32
    %add3A_203 = arith.addi %mul3A_85, %add3A_202 : i32
    %dma_wait3A_204 = arith.constant 1 : i32
    %dma_wait3A_205 = arith.constant 0 : i32
    %dma_wait3A_206 = tpu.memref_slice %arg11[%add3A_203, %dma_wait3A_205] : memref<10240x128xf32, #tpu.memory_space<vmem_shared>> -> memref<80x128xf32, #tpu.memory_space<vmem_shared>>
    %dma_wait3A_207 = tpu.memref_slice %arg12[%dma_wait3A_204] : memref<3x!tpu.dma_semaphore, #tpu.memory_space<semaphore_mem>> -> memref<1x!tpu.dma_semaphore, #tpu.memory_space<semaphore_mem>>
    %dma_wait3A_208 = tpu.memref_squeeze %dma_wait3A_207 : memref<1x!tpu.dma_semaphore, #tpu.memory_space<semaphore_mem>> -> memref<!tpu.dma_semaphore, #tpu.memory_space<semaphore_mem>>
    %dma_wait3A_209 = arith.constant 0 : i32
    %dma_wait3A_210 = tpu.memref_slice %arg11[%add3A_203, %dma_wait3A_209] : memref<10240x128xf32, #tpu.memory_space<vmem_shared>> -> memref<80x128xf32, #tpu.memory_space<vmem_shared>>
    tpu.wait_dma2 semaphore(%dma_wait3A_208 : memref<!tpu.dma_semaphore, #tpu.memory_space<semaphore_mem>>) src(%arg8 : memref<80x128xf32, #tpu.memory_space<vmem>>) dst(%dma_wait3A_210 : memref<80x128xf32, #tpu.memory_space<vmem_shared>>)
    %add3A_211 = arith.constant 480 : i32
    %add3A_212 = arith.addi %mul3A_85, %add3A_211 : i32
    %dma_wait3A_213 = arith.constant 0 : i32
    %dma_wait3A_214 = arith.constant 0 : i32
    %dma_wait3A_215 = tpu.memref_slice %arg11[%add3A_212, %dma_wait3A_214] : memref<10240x128xf32, #tpu.memory_space<vmem_shared>> -> memref<80x128xf32, #tpu.memory_space<vmem_shared>>
    %dma_wait3A_216 = tpu.memref_slice %arg12[%dma_wait3A_213] : memref<3x!tpu.dma_semaphore, #tpu.memory_space<semaphore_mem>> -> memref<1x!tpu.dma_semaphore, #tpu.memory_space<semaphore_mem>>
    %dma_wait3A_217 = tpu.memref_squeeze %dma_wait3A_216 : memref<1x!tpu.dma_semaphore, #tpu.memory_space<semaphore_mem>> -> memref<!tpu.dma_semaphore, #tpu.memory_space<semaphore_mem>>
    %dma_wait3A_218 = arith.constant 0 : i32
    %dma_wait3A_219 = tpu.memref_slice %arg11[%add3A_212, %dma_wait3A_218] : memref<10240x128xf32, #tpu.memory_space<vmem_shared>> -> memref<80x128xf32, #tpu.memory_space<vmem_shared>>
    tpu.wait_dma2 semaphore(%dma_wait3A_217 : memref<!tpu.dma_semaphore, #tpu.memory_space<semaphore_mem>>) src(%arg8 : memref<80x128xf32, #tpu.memory_space<vmem>>) dst(%dma_wait3A_219 : memref<80x128xf32, #tpu.memory_space<vmem_shared>>)
    %add3A_220 = arith.constant 560 : i32
    %add3A_221 = arith.addi %mul3A_85, %add3A_220 : i32
    %dma_wait3A_222 = arith.constant 1 : i32
    %dma_wait3A_223 = arith.constant 0 : i32
    %dma_wait3A_224 = tpu.memref_slice %arg11[%add3A_221, %dma_wait3A_223] : memref<10240x128xf32, #tpu.memory_space<vmem_shared>> -> memref<80x128xf32, #tpu.memory_space<vmem_shared>>
    %dma_wait3A_225 = tpu.memref_slice %arg12[%dma_wait3A_222] : memref<3x!tpu.dma_semaphore, #tpu.memory_space<semaphore_mem>> -> memref<1x!tpu.dma_semaphore, #tpu.memory_space<semaphore_mem>>
    %dma_wait3A_226 = tpu.memref_squeeze %dma_wait3A_225 : memref<1x!tpu.dma_semaphore, #tpu.memory_space<semaphore_mem>> -> memref<!tpu.dma_semaphore, #tpu.memory_space<semaphore_mem>>
    %dma_wait3A_227 = arith.constant 0 : i32
    %dma_wait3A_228 = tpu.memref_slice %arg11[%add3A_221, %dma_wait3A_227] : memref<10240x128xf32, #tpu.memory_space<vmem_shared>> -> memref<80x128xf32, #tpu.memory_space<vmem_shared>>
    tpu.wait_dma2 semaphore(%dma_wait3A_226 : memref<!tpu.dma_semaphore, #tpu.memory_space<semaphore_mem>>) src(%arg8 : memref<80x128xf32, #tpu.memory_space<vmem>>) dst(%dma_wait3A_228 : memref<80x128xf32, #tpu.memory_space<vmem_shared>>)
    %dma_wait3A_229 = arith.constant 0 : i32
    %dma_wait3A_230 = tpu.memref_slice %arg3[%dma_wait3A_229] : memref<320000xi32, #tpu.memory_space<hbm>> -> memref<10000xi32, #tpu.memory_space<hbm>>
    %dma_wait3A_231 = arith.constant 0 : i32
    %dma_wait3A_232 = tpu.memref_slice %arg3[%dma_wait3A_231] : memref<320000xi32, #tpu.memory_space<hbm>> -> memref<10000xi32, #tpu.memory_space<hbm>>
    tpu.wait_dma2 semaphore(%arg15 : memref<!tpu.dma_semaphore, #tpu.memory_space<semaphore_mem>>) src(%dma_wait3A_232 : memref<10000xi32, #tpu.memory_space<hbm>>) dst(%arg6 : memref<10000xi32, #tpu.memory_space<vmem>>)
    %barrier3A = arith.constant 0 : index
    tpu.barrier barrier_id(%barrier3A)
    %dma_start3A_233 = arith.constant 0 : i32
    %dma_start3A_234 = arith.constant 0 : i32
    %dma_start3A_235 = tpu.memref_slice %arg6[%dma_start3A_234] : memref<10000xi32, #tpu.memory_space<vmem>> -> memref<80xi32, #tpu.memory_space<vmem>>
    %dma_start3A_236 = arith.constant 0 : i32
    %dma_start3A_237 = arith.constant 0 : i32
    %dma_start3A_238 = tpu.memref_slice %arg2[%dma_start3A_236, %dma_start3A_237] : memref<10000x128xf32, #tpu.memory_space<hbm>> -> memref<10000x128xf32, #tpu.memory_space<hbm>>
    %dma_start3A_239 = tpu.memref_slice %arg12[%dma_start3A_233] : memref<3x!tpu.dma_semaphore, #tpu.memory_space<semaphore_mem>> -> memref<1x!tpu.dma_semaphore, #tpu.memory_space<semaphore_mem>>
    %dma_start3A_240 = tpu.memref_squeeze %dma_start3A_239 : memref<1x!tpu.dma_semaphore, #tpu.memory_space<semaphore_mem>> -> memref<!tpu.dma_semaphore, #tpu.memory_space<semaphore_mem>>
    tpu.enqueue_indirect_dma source(%dma_start3A_238 : memref<10000x128xf32, #tpu.memory_space<hbm>>) target(%arg8 : memref<80x128xf32, #tpu.memory_space<vmem>>) offsets(%dma_start3A_235 : memref<80xi32, #tpu.memory_space<vmem>>) semaphore(%dma_start3A_240 : memref<!tpu.dma_semaphore, #tpu.memory_space<semaphore_mem>>)
    %dma_start3A_241 = arith.constant 1 : i32
    %dma_start3A_242 = arith.constant 80 : i32
    %dma_start3A_243 = tpu.memref_slice %arg6[%dma_start3A_242] : memref<10000xi32, #tpu.memory_space<vmem>> -> memref<80xi32, #tpu.memory_space<vmem>>
    %dma_start3A_244 = arith.constant 0 : i32
    %dma_start3A_245 = arith.constant 0 : i32
    %dma_start3A_246 = tpu.memref_slice %arg2[%dma_start3A_244, %dma_start3A_245] : memref<10000x128xf32, #tpu.memory_space<hbm>> -> memref<10000x128xf32, #tpu.memory_space<hbm>>
    %dma_start3A_247 = tpu.memref_slice %arg12[%dma_start3A_241] : memref<3x!tpu.dma_semaphore, #tpu.memory_space<semaphore_mem>> -> memref<1x!tpu.dma_semaphore, #tpu.memory_space<semaphore_mem>>
    %dma_start3A_248 = tpu.memref_squeeze %dma_start3A_247 : memref<1x!tpu.dma_semaphore, #tpu.memory_space<semaphore_mem>> -> memref<!tpu.dma_semaphore, #tpu.memory_space<semaphore_mem>>
    tpu.enqueue_indirect_dma source(%dma_start3A_246 : memref<10000x128xf32, #tpu.memory_space<hbm>>) target(%arg9 : memref<80x128xf32, #tpu.memory_space<vmem>>) offsets(%dma_start3A_243 : memref<80xi32, #tpu.memory_space<vmem>>) semaphore(%dma_start3A_248 : memref<!tpu.dma_semaphore, #tpu.memory_space<semaphore_mem>>)
    %scan3A_249 = arith.constant 0 : i32
    %scan3A_250 = arith.constant 20 : i32
    %scan3A_251 = arith.addi %scan3A_249, %scan3A_250 : i32
    %scan3A_252 = arith.constant 1 : i32
    scf.for %scan3A_499 = %scan3A_249 to %scan3A_251 step %scan3A_252  : i32 {
      %mul3A_500 = arith.constant 6 : i32
      %mul3A_501 = arith.muli %scan3A_499, %mul3A_500 : i32
      %add3A_502 = arith.constant 0 : i32
      %add3A_503 = arith.addi %mul3A_501, %add3A_502 : i32
      %dma_wait3A_504 = arith.constant 0 : i32
      %dma_wait3A_505 = arith.constant 0 : i32
      %dma_wait3A_506 = tpu.memref_slice %arg6[%dma_wait3A_505] : memref<10000xi32, #tpu.memory_space<vmem>> -> memref<80xi32, #tpu.memory_space<vmem>>
      %dma_wait3A_507 = arith.constant 0 : i32
      %dma_wait3A_508 = arith.constant 0 : i32
      %dma_wait3A_509 = tpu.memref_slice %arg2[%dma_wait3A_507, %dma_wait3A_508] : memref<10000x128xf32, #tpu.memory_space<hbm>> -> memref<10000x128xf32, #tpu.memory_space<hbm>>
      %dma_wait3A_510 = tpu.memref_slice %arg12[%dma_wait3A_504] : memref<3x!tpu.dma_semaphore, #tpu.memory_space<semaphore_mem>> -> memref<1x!tpu.dma_semaphore, #tpu.memory_space<semaphore_mem>>
      %dma_wait3A_511 = tpu.memref_squeeze %dma_wait3A_510 : memref<1x!tpu.dma_semaphore, #tpu.memory_space<semaphore_mem>> -> memref<!tpu.dma_semaphore, #tpu.memory_space<semaphore_mem>>
      tpu.wait_indirect_dma semaphore(%dma_wait3A_511 : memref<!tpu.dma_semaphore, #tpu.memory_space<semaphore_mem>>) src(%dma_wait3A_509 : memref<10000x128xf32, #tpu.memory_space<hbm>>) dst(%arg8 : memref<80x128xf32, #tpu.memory_space<vmem>>)
      %dma_wait3A_512 = arith.constant 0 : i32
      %dma_wait3A_513 = arith.constant 0 : i32
      %dma_wait3A_514 = arith.constant 0 : i32
      %dma_wait3A_515 = tpu.memref_slice %arg7[%dma_wait3A_512, %dma_wait3A_514] : memref<6x80xi32, #tpu.memory_space<vmem>> -> memref<1x80xi32, #tpu.memory_space<vmem>>
      %dma_wait3A_516 = tpu.memref_squeeze %dma_wait3A_515 : memref<1x80xi32, #tpu.memory_space<vmem>> -> memref<80xi32, #tpu.memory_space<vmem>>
      %dma_wait3A_517 = arith.constant 0 : i32
      %dma_wait3A_518 = tpu.memref_slice %arg4[%dma_wait3A_517] : memref<320000xi32, #tpu.memory_space<hbm>> -> memref<80xi32, #tpu.memory_space<hbm>>
      %dma_wait3A_519 = tpu.memref_slice %arg14[%dma_wait3A_513] : memref<6x!tpu.dma_semaphore, #tpu.memory_space<semaphore_mem>> -> memref<1x!tpu.dma_semaphore, #tpu.memory_space<semaphore_mem>>
      %dma_wait3A_520 = tpu.memref_squeeze %dma_wait3A_519 : memref<1x!tpu.dma_semaphore, #tpu.memory_space<semaphore_mem>> -> memref<!tpu.dma_semaphore, #tpu.memory_space<semaphore_mem>>
      %dma_wait3A_521 = arith.constant 0 : i32
      %dma_wait3A_522 = tpu.memref_slice %arg7[%dma_wait3A_512, %dma_wait3A_521] : memref<6x80xi32, #tpu.memory_space<vmem>> -> memref<1x80xi32, #tpu.memory_space<vmem>>
      %dma_wait3A_523 = tpu.memref_squeeze %dma_wait3A_522 : memref<1x80xi32, #tpu.memory_space<vmem>> -> memref<80xi32, #tpu.memory_space<vmem>>
      %dma_wait3A_524 = arith.constant 0 : i32
      %dma_wait3A_525 = tpu.memref_slice %arg4[%dma_wait3A_524] : memref<320000xi32, #tpu.memory_space<hbm>> -> memref<80xi32, #tpu.memory_space<hbm>>
      tpu.wait_dma2 semaphore(%dma_wait3A_520 : memref<!tpu.dma_semaphore, #tpu.memory_space<semaphore_mem>>) src(%dma_wait3A_525 : memref<80xi32, #tpu.memory_space<hbm>>) dst(%dma_wait3A_523 : memref<80xi32, #tpu.memory_space<vmem>>)
      %dma_start3A_526 = arith.constant 0 : i32
      %dma_start3A_527 = arith.constant 0 : i32
      %dma_start3A_528 = arith.constant 0 : i32
      %dma_start3A_529 = tpu.memref_slice %arg7[%dma_start3A_526, %dma_start3A_528] : memref<6x80xi32, #tpu.memory_space<vmem>> -> memref<1x80xi32, #tpu.memory_space<vmem>>
      %dma_start3A_530 = tpu.memref_squeeze %dma_start3A_529 : memref<1x80xi32, #tpu.memory_space<vmem>> -> memref<80xi32, #tpu.memory_space<vmem>>
      %dma_start3A_531 = arith.constant 0 : i32
      %dma_start3A_532 = arith.constant 0 : i32
      %dma_start3A_533 = tpu.memref_slice %arg11[%dma_start3A_531, %dma_start3A_532] : memref<10240x128xf32, #tpu.memory_space<vmem_shared>> -> memref<10240x128xf32, #tpu.memory_space<vmem_shared>>
      %dma_start3A_534 = tpu.memref_slice %arg13[%dma_start3A_527] : memref<3x!tpu.dma_semaphore, #tpu.memory_space<semaphore_mem>> -> memref<1x!tpu.dma_semaphore, #tpu.memory_space<semaphore_mem>>
      %dma_start3A_535 = tpu.memref_squeeze %dma_start3A_534 : memref<1x!tpu.dma_semaphore, #tpu.memory_space<semaphore_mem>> -> memref<!tpu.dma_semaphore, #tpu.memory_space<semaphore_mem>>
      tpu.enqueue_indirect_dma source(%arg8 : memref<80x128xf32, #tpu.memory_space<vmem>>) target(%dma_start3A_533 : memref<10240x128xf32, #tpu.memory_space<vmem_shared>>) offsets(%dma_start3A_530 : memref<80xi32, #tpu.memory_space<vmem>>) semaphore(%dma_start3A_535 : memref<!tpu.dma_semaphore, #tpu.memory_space<semaphore_mem>>) {add = true}
      %ge3A = arith.constant 1 : i32
      %ge3A_536 = arith.cmpi sge, %add3A_503, %ge3A : i32
      %convert_element_type3A = arith.extui %ge3A_536 : i1 to i32
      %cond3A = arith.constant 0 : i32
      %cond3A_537 = arith.cmpi ne, %convert_element_type3A, %cond3A : i32
      scf.if %cond3A_537 {
        %dma_wait3A_837 = arith.constant 0 : i32
        %dma_wait3A_838 = arith.constant 2 : i32
        %dma_wait3A_839 = arith.constant 0 : i32
        %dma_wait3A_840 = tpu.memref_slice %arg7[%dma_wait3A_837, %dma_wait3A_839] : memref<6x80xi32, #tpu.memory_space<vmem>> -> memref<1x80xi32, #tpu.memory_space<vmem>>
        %dma_wait3A_841 = tpu.memref_squeeze %dma_wait3A_840 : memref<1x80xi32, #tpu.memory_space<vmem>> -> memref<80xi32, #tpu.memory_space<vmem>>
        %dma_wait3A_842 = arith.constant 0 : i32
        %dma_wait3A_843 = arith.constant 0 : i32
        %dma_wait3A_844 = tpu.memref_slice %arg11[%dma_wait3A_842, %dma_wait3A_843] : memref<10240x128xf32, #tpu.memory_space<vmem_shared>> -> memref<10240x128xf32, #tpu.memory_space<vmem_shared>>
        %dma_wait3A_845 = tpu.memref_slice %arg13[%dma_wait3A_838] : memref<3x!tpu.dma_semaphore, #tpu.memory_space<semaphore_mem>> -> memref<1x!tpu.dma_semaphore, #tpu.memory_space<semaphore_mem>>
        %dma_wait3A_846 = tpu.memref_squeeze %dma_wait3A_845 : memref<1x!tpu.dma_semaphore, #tpu.memory_space<semaphore_mem>> -> memref<!tpu.dma_semaphore, #tpu.memory_space<semaphore_mem>>
        tpu.wait_indirect_dma semaphore(%dma_wait3A_846 : memref<!tpu.dma_semaphore, #tpu.memory_space<semaphore_mem>>) src(%arg10 : memref<80x128xf32, #tpu.memory_space<vmem>>) dst(%dma_wait3A_844 : memref<10240x128xf32, #tpu.memory_space<vmem_shared>>)
      } else {
      }
      %add3A_538 = arith.constant 6 : i32
      %add3A_539 = arith.addi %add3A_503, %add3A_538 : i32
      %sub3A = arith.constant 1 : i32
      %sub3A_540 = arith.subi %add3A_539, %sub3A : i32
      %lt3A = arith.constant 125 : i32
      %lt3A_541 = arith.cmpi slt, %sub3A_540, %lt3A : i32
      %convert_element_type3A_542 = arith.extui %lt3A_541 : i1 to i32
      %cond3A_543 = arith.constant 0 : i32
      %cond3A_544 = arith.cmpi ne, %convert_element_type3A_542, %cond3A_543 : i32
      scf.if %cond3A_544 {
        %add3A_837 = arith.constant 6 : i32
        %add3A_838 = arith.addi %add3A_503, %add3A_837 : i32
        %sub3A_839 = arith.constant 1 : i32
        %sub3A_840 = arith.subi %add3A_838, %sub3A_839 : i32
        %mul3A_841 = arith.constant 80 : i32
        %mul3A_842 = arith.muli %sub3A_840, %mul3A_841 : i32
        %add3A_843 = arith.addi %multiple_of3A, %mul3A_842 : i32
        %multiple_of3A_844 = tpu.assume_multiple %add3A_843, 8 : i32
        %dma_start3A_845 = arith.constant 5 : i32
        %dma_start3A_846 = arith.constant 5 : i32
        %dma_start3A_847 = arith.constant 0 : i32
        %dma_start3A_848 = tpu.memref_slice %arg7[%dma_start3A_845, %dma_start3A_847] : memref<6x80xi32, #tpu.memory_space<vmem>> -> memref<1x80xi32, #tpu.memory_space<vmem>>
        %dma_start3A_849 = tpu.memref_squeeze %dma_start3A_848 : memref<1x80xi32, #tpu.memory_space<vmem>> -> memref<80xi32, #tpu.memory_space<vmem>>
        %dma_start3A_850 = tpu.memref_slice %arg4[%multiple_of3A_844] : memref<320000xi32, #tpu.memory_space<hbm>> -> memref<80xi32, #tpu.memory_space<hbm>>
        %dma_start3A_851 = tpu.memref_slice %arg14[%dma_start3A_846] : memref<6x!tpu.dma_semaphore, #tpu.memory_space<semaphore_mem>> -> memref<1x!tpu.dma_semaphore, #tpu.memory_space<semaphore_mem>>
        %dma_start3A_852 = tpu.memref_squeeze %dma_start3A_851 : memref<1x!tpu.dma_semaphore, #tpu.memory_space<semaphore_mem>> -> memref<!tpu.dma_semaphore, #tpu.memory_space<semaphore_mem>>
        %dma_start3A_853 = arith.constant 0 : i32
        %dma_start3A_854 = tpu.memref_slice %arg7[%dma_start3A_845, %dma_start3A_853] : memref<6x80xi32, #tpu.memory_space<vmem>> -> memref<1x80xi32, #tpu.memory_space<vmem>>
        %dma_start3A_855 = tpu.memref_squeeze %dma_start3A_854 : memref<1x80xi32, #tpu.memory_space<vmem>> -> memref<80xi32, #tpu.memory_space<vmem>>
        %dma_start3A_856 = tpu.memref_slice %arg4[%multiple_of3A_844] : memref<320000xi32, #tpu.memory_space<hbm>> -> memref<80xi32, #tpu.memory_space<hbm>>
        tpu.enqueue_dma source(%dma_start3A_856 : memref<80xi32, #tpu.memory_space<hbm>>) target(%dma_start3A_855 : memref<80xi32, #tpu.memory_space<vmem>>) target_semaphore(%dma_start3A_852 : memref<!tpu.dma_semaphore, #tpu.memory_space<semaphore_mem>>)
      } else {
      }
      %add3A_545 = arith.constant 2 : i32
      %add3A_546 = arith.addi %add3A_503, %add3A_545 : i32
      %lt3A_547 = arith.constant 125 : i32
      %lt3A_548 = arith.cmpi slt, %add3A_546, %lt3A_547 : i32
      %convert_element_type3A_549 = arith.extui %lt3A_548 : i1 to i32
      %cond3A_550 = arith.constant 0 : i32
      %cond3A_551 = arith.cmpi ne, %convert_element_type3A_549, %cond3A_550 : i32
      scf.if %cond3A_551 {
        %add3A_837 = arith.constant 2 : i32
        %add3A_838 = arith.addi %add3A_503, %add3A_837 : i32
        %mul3A_839 = arith.constant 80 : i32
        %mul3A_840 = arith.muli %add3A_838, %mul3A_839 : i32
        %multiple_of3A_841 = tpu.assume_multiple %mul3A_840, 8 : i32
        %dma_start3A_842 = arith.constant 2 : i32
        %dma_start3A_843 = tpu.memref_slice %arg6[%multiple_of3A_841] : memref<10000xi32, #tpu.memory_space<vmem>> -> memref<80xi32, #tpu.memory_space<vmem>>
        %dma_start3A_844 = arith.constant 0 : i32
        %dma_start3A_845 = arith.constant 0 : i32
        %dma_start3A_846 = tpu.memref_slice %arg2[%dma_start3A_844, %dma_start3A_845] : memref<10000x128xf32, #tpu.memory_space<hbm>> -> memref<10000x128xf32, #tpu.memory_space<hbm>>
        %dma_start3A_847 = tpu.memref_slice %arg12[%dma_start3A_842] : memref<3x!tpu.dma_semaphore, #tpu.memory_space<semaphore_mem>> -> memref<1x!tpu.dma_semaphore, #tpu.memory_space<semaphore_mem>>
        %dma_start3A_848 = tpu.memref_squeeze %dma_start3A_847 : memref<1x!tpu.dma_semaphore, #tpu.memory_space<semaphore_mem>> -> memref<!tpu.dma_semaphore, #tpu.memory_space<semaphore_mem>>
        tpu.enqueue_indirect_dma source(%dma_start3A_846 : memref<10000x128xf32, #tpu.memory_space<hbm>>) target(%arg10 : memref<80x128xf32, #tpu.memory_space<vmem>>) offsets(%dma_start3A_843 : memref<80xi32, #tpu.memory_space<vmem>>) semaphore(%dma_start3A_848 : memref<!tpu.dma_semaphore, #tpu.memory_space<semaphore_mem>>)
      } else {
      }
      %mul3A_552 = arith.constant 6 : i32
      %mul3A_553 = arith.muli %scan3A_499, %mul3A_552 : i32
      %add3A_554 = arith.constant 1 : i32
      %add3A_555 = arith.addi %mul3A_553, %add3A_554 : i32
      %dma_wait3A_556 = arith.constant 1 : i32
      %dma_wait3A_557 = arith.constant 0 : i32
      %dma_wait3A_558 = tpu.memref_slice %arg6[%dma_wait3A_557] : memref<10000xi32, #tpu.memory_space<vmem>> -> memref<80xi32, #tpu.memory_space<vmem>>
      %dma_wait3A_559 = arith.constant 0 : i32
      %dma_wait3A_560 = arith.constant 0 : i32
      %dma_wait3A_561 = tpu.memref_slice %arg2[%dma_wait3A_559, %dma_wait3A_560] : memref<10000x128xf32, #tpu.memory_space<hbm>> -> memref<10000x128xf32, #tpu.memory_space<hbm>>
      %dma_wait3A_562 = tpu.memref_slice %arg12[%dma_wait3A_556] : memref<3x!tpu.dma_semaphore, #tpu.memory_space<semaphore_mem>> -> memref<1x!tpu.dma_semaphore, #tpu.memory_space<semaphore_mem>>
      %dma_wait3A_563 = tpu.memref_squeeze %dma_wait3A_562 : memref<1x!tpu.dma_semaphore, #tpu.memory_space<semaphore_mem>> -> memref<!tpu.dma_semaphore, #tpu.memory_space<semaphore_mem>>
      tpu.wait_indirect_dma semaphore(%dma_wait3A_563 : memref<!tpu.dma_semaphore, #tpu.memory_space<semaphore_mem>>) src(%dma_wait3A_561 : memref<10000x128xf32, #tpu.memory_space<hbm>>) dst(%arg9 : memref<80x128xf32, #tpu.memory_space<vmem>>)
      %dma_wait3A_564 = arith.constant 1 : i32
      %dma_wait3A_565 = arith.constant 1 : i32
      %dma_wait3A_566 = arith.constant 0 : i32
      %dma_wait3A_567 = tpu.memref_slice %arg7[%dma_wait3A_564, %dma_wait3A_566] : memref<6x80xi32, #tpu.memory_space<vmem>> -> memref<1x80xi32, #tpu.memory_space<vmem>>
      %dma_wait3A_568 = tpu.memref_squeeze %dma_wait3A_567 : memref<1x80xi32, #tpu.memory_space<vmem>> -> memref<80xi32, #tpu.memory_space<vmem>>
      %dma_wait3A_569 = arith.constant 0 : i32
      %dma_wait3A_570 = tpu.memref_slice %arg4[%dma_wait3A_569] : memref<320000xi32, #tpu.memory_space<hbm>> -> memref<80xi32, #tpu.memory_space<hbm>>
      %dma_wait3A_571 = tpu.memref_slice %arg14[%dma_wait3A_565] : memref<6x!tpu.dma_semaphore, #tpu.memory_space<semaphore_mem>> -> memref<1x!tpu.dma_semaphore, #tpu.memory_space<semaphore_mem>>
      %dma_wait3A_572 = tpu.memref_squeeze %dma_wait3A_571 : memref<1x!tpu.dma_semaphore, #tpu.memory_space<semaphore_mem>> -> memref<!tpu.dma_semaphore, #tpu.memory_space<semaphore_mem>>
      %dma_wait3A_573 = arith.constant 0 : i32
      %dma_wait3A_574 = tpu.memref_slice %arg7[%dma_wait3A_564, %dma_wait3A_573] : memref<6x80xi32, #tpu.memory_space<vmem>> -> memref<1x80xi32, #tpu.memory_space<vmem>>
      %dma_wait3A_575 = tpu.memref_squeeze %dma_wait3A_574 : memref<1x80xi32, #tpu.memory_space<vmem>> -> memref<80xi32, #tpu.memory_space<vmem>>
      %dma_wait3A_576 = arith.constant 0 : i32
      %dma_wait3A_577 = tpu.memref_slice %arg4[%dma_wait3A_576] : memref<320000xi32, #tpu.memory_space<hbm>> -> memref<80xi32, #tpu.memory_space<hbm>>
      tpu.wait_dma2 semaphore(%dma_wait3A_572 : memref<!tpu.dma_semaphore, #tpu.memory_space<semaphore_mem>>) src(%dma_wait3A_577 : memref<80xi32, #tpu.memory_space<hbm>>) dst(%dma_wait3A_575 : memref<80xi32, #tpu.memory_space<vmem>>)
      %dma_start3A_578 = arith.constant 1 : i32
      %dma_start3A_579 = arith.constant 1 : i32
      %dma_start3A_580 = arith.constant 0 : i32
      %dma_start3A_581 = tpu.memref_slice %arg7[%dma_start3A_578, %dma_start3A_580] : memref<6x80xi32, #tpu.memory_space<vmem>> -> memref<1x80xi32, #tpu.memory_space<vmem>>
      %dma_start3A_582 = tpu.memref_squeeze %dma_start3A_581 : memref<1x80xi32, #tpu.memory_space<vmem>> -> memref<80xi32, #tpu.memory_space<vmem>>
      %dma_start3A_583 = arith.constant 0 : i32
      %dma_start3A_584 = arith.constant 0 : i32
      %dma_start3A_585 = tpu.memref_slice %arg11[%dma_start3A_583, %dma_start3A_584] : memref<10240x128xf32, #tpu.memory_space<vmem_shared>> -> memref<10240x128xf32, #tpu.memory_space<vmem_shared>>
      %dma_start3A_586 = tpu.memref_slice %arg13[%dma_start3A_579] : memref<3x!tpu.dma_semaphore, #tpu.memory_space<semaphore_mem>> -> memref<1x!tpu.dma_semaphore, #tpu.memory_space<semaphore_mem>>
      %dma_start3A_587 = tpu.memref_squeeze %dma_start3A_586 : memref<1x!tpu.dma_semaphore, #tpu.memory_space<semaphore_mem>> -> memref<!tpu.dma_semaphore, #tpu.memory_space<semaphore_mem>>
      tpu.enqueue_indirect_dma source(%arg9 : memref<80x128xf32, #tpu.memory_space<vmem>>) target(%dma_start3A_585 : memref<10240x128xf32, #tpu.memory_space<vmem_shared>>) offsets(%dma_start3A_582 : memref<80xi32, #tpu.memory_space<vmem>>) semaphore(%dma_start3A_587 : memref<!tpu.dma_semaphore, #tpu.memory_space<semaphore_mem>>) {add = true}
      %ge3A_588 = arith.constant 1 : i32
      %ge3A_589 = arith.cmpi sge, %add3A_555, %ge3A_588 : i32
      %convert_element_type3A_590 = arith.extui %ge3A_589 : i1 to i32
      %cond3A_591 = arith.constant 0 : i32
      %cond3A_592 = arith.cmpi ne, %convert_element_type3A_590, %cond3A_591 : i32
      scf.if %cond3A_592 {
        %dma_wait3A_837 = arith.constant 0 : i32
        %dma_wait3A_838 = arith.constant 0 : i32
        %dma_wait3A_839 = arith.constant 0 : i32
        %dma_wait3A_840 = tpu.memref_slice %arg7[%dma_wait3A_837, %dma_wait3A_839] : memref<6x80xi32, #tpu.memory_space<vmem>> -> memref<1x80xi32, #tpu.memory_space<vmem>>
        %dma_wait3A_841 = tpu.memref_squeeze %dma_wait3A_840 : memref<1x80xi32, #tpu.memory_space<vmem>> -> memref<80xi32, #tpu.memory_space<vmem>>
        %dma_wait3A_842 = arith.constant 0 : i32
        %dma_wait3A_843 = arith.constant 0 : i32
        %dma_wait3A_844 = tpu.memref_slice %arg11[%dma_wait3A_842, %dma_wait3A_843] : memref<10240x128xf32, #tpu.memory_space<vmem_shared>> -> memref<10240x128xf32, #tpu.memory_space<vmem_shared>>
        %dma_wait3A_845 = tpu.memref_slice %arg13[%dma_wait3A_838] : memref<3x!tpu.dma_semaphore, #tpu.memory_space<semaphore_mem>> -> memref<1x!tpu.dma_semaphore, #tpu.memory_space<semaphore_mem>>
        %dma_wait3A_846 = tpu.memref_squeeze %dma_wait3A_845 : memref<1x!tpu.dma_semaphore, #tpu.memory_space<semaphore_mem>> -> memref<!tpu.dma_semaphore, #tpu.memory_space<semaphore_mem>>
        tpu.wait_indirect_dma semaphore(%dma_wait3A_846 : memref<!tpu.dma_semaphore, #tpu.memory_space<semaphore_mem>>) src(%arg8 : memref<80x128xf32, #tpu.memory_space<vmem>>) dst(%dma_wait3A_844 : memref<10240x128xf32, #tpu.memory_space<vmem_shared>>)
      } else {
      }
      %add3A_593 = arith.constant 6 : i32
      %add3A_594 = arith.addi %add3A_555, %add3A_593 : i32
      %sub3A_595 = arith.constant 1 : i32
      %sub3A_596 = arith.subi %add3A_594, %sub3A_595 : i32
      %lt3A_597 = arith.constant 125 : i32
      %lt3A_598 = arith.cmpi slt, %sub3A_596, %lt3A_597 : i32
      %convert_element_type3A_599 = arith.extui %lt3A_598 : i1 to i32
      %cond3A_600 = arith.constant 0 : i32
      %cond3A_601 = arith.cmpi ne, %convert_element_type3A_599, %cond3A_600 : i32
      scf.if %cond3A_601 {
        %add3A_837 = arith.constant 6 : i32
        %add3A_838 = arith.addi %add3A_555, %add3A_837 : i32
        %sub3A_839 = arith.constant 1 : i32
        %sub3A_840 = arith.subi %add3A_838, %sub3A_839 : i32
        %mul3A_841 = arith.constant 80 : i32
        %mul3A_842 = arith.muli %sub3A_840, %mul3A_841 : i32
        %add3A_843 = arith.addi %multiple_of3A, %mul3A_842 : i32
        %multiple_of3A_844 = tpu.assume_multiple %add3A_843, 8 : i32
        %dma_start3A_845 = arith.constant 0 : i32
        %dma_start3A_846 = arith.constant 0 : i32
        %dma_start3A_847 = arith.constant 0 : i32
        %dma_start3A_848 = tpu.memref_slice %arg7[%dma_start3A_845, %dma_start3A_847] : memref<6x80xi32, #tpu.memory_space<vmem>> -> memref<1x80xi32, #tpu.memory_space<vmem>>
        %dma_start3A_849 = tpu.memref_squeeze %dma_start3A_848 : memref<1x80xi32, #tpu.memory_space<vmem>> -> memref<80xi32, #tpu.memory_space<vmem>>
        %dma_start3A_850 = tpu.memref_slice %arg4[%multiple_of3A_844] : memref<320000xi32, #tpu.memory_space<hbm>> -> memref<80xi32, #tpu.memory_space<hbm>>
        %dma_start3A_851 = tpu.memref_slice %arg14[%dma_start3A_846] : memref<6x!tpu.dma_semaphore, #tpu.memory_space<semaphore_mem>> -> memref<1x!tpu.dma_semaphore, #tpu.memory_space<semaphore_mem>>
        %dma_start3A_852 = tpu.memref_squeeze %dma_start3A_851 : memref<1x!tpu.dma_semaphore, #tpu.memory_space<semaphore_mem>> -> memref<!tpu.dma_semaphore, #tpu.memory_space<semaphore_mem>>
        %dma_start3A_853 = arith.constant 0 : i32
        %dma_start3A_854 = tpu.memref_slice %arg7[%dma_start3A_845, %dma_start3A_853] : memref<6x80xi32, #tpu.memory_space<vmem>> -> memref<1x80xi32, #tpu.memory_space<vmem>>
        %dma_start3A_855 = tpu.memref_squeeze %dma_start3A_854 : memref<1x80xi32, #tpu.memory_space<vmem>> -> memref<80xi32, #tpu.memory_space<vmem>>
        %dma_start3A_856 = tpu.memref_slice %arg4[%multiple_of3A_844] : memref<320000xi32, #tpu.memory_space<hbm>> -> memref<80xi32, #tpu.memory_space<hbm>>
        tpu.enqueue_dma source(%dma_start3A_856 : memref<80xi32, #tpu.memory_space<hbm>>) target(%dma_start3A_855 : memref<80xi32, #tpu.memory_space<vmem>>) target_semaphore(%dma_start3A_852 : memref<!tpu.dma_semaphore, #tpu.memory_space<semaphore_mem>>)
      } else {
      }
      %add3A_602 = arith.constant 2 : i32
      %add3A_603 = arith.addi %add3A_555, %add3A_602 : i32
      %lt3A_604 = arith.constant 125 : i32
      %lt3A_605 = arith.cmpi slt, %add3A_603, %lt3A_604 : i32
      %convert_element_type3A_606 = arith.extui %lt3A_605 : i1 to i32
      %cond3A_607 = arith.constant 0 : i32
      %cond3A_608 = arith.cmpi ne, %convert_element_type3A_606, %cond3A_607 : i32
      scf.if %cond3A_608 {
        %add3A_837 = arith.constant 2 : i32
        %add3A_838 = arith.addi %add3A_555, %add3A_837 : i32
        %mul3A_839 = arith.constant 80 : i32
        %mul3A_840 = arith.muli %add3A_838, %mul3A_839 : i32
        %multiple_of3A_841 = tpu.assume_multiple %mul3A_840, 8 : i32
        %dma_start3A_842 = arith.constant 0 : i32
        %dma_start3A_843 = tpu.memref_slice %arg6[%multiple_of3A_841] : memref<10000xi32, #tpu.memory_space<vmem>> -> memref<80xi32, #tpu.memory_space<vmem>>
        %dma_start3A_844 = arith.constant 0 : i32
        %dma_start3A_845 = arith.constant 0 : i32
        %dma_start3A_846 = tpu.memref_slice %arg2[%dma_start3A_844, %dma_start3A_845] : memref<10000x128xf32, #tpu.memory_space<hbm>> -> memref<10000x128xf32, #tpu.memory_space<hbm>>
        %dma_start3A_847 = tpu.memref_slice %arg12[%dma_start3A_842] : memref<3x!tpu.dma_semaphore, #tpu.memory_space<semaphore_mem>> -> memref<1x!tpu.dma_semaphore, #tpu.memory_space<semaphore_mem>>
        %dma_start3A_848 = tpu.memref_squeeze %dma_start3A_847 : memref<1x!tpu.dma_semaphore, #tpu.memory_space<semaphore_mem>> -> memref<!tpu.dma_semaphore, #tpu.memory_space<semaphore_mem>>
        tpu.enqueue_indirect_dma source(%dma_start3A_846 : memref<10000x128xf32, #tpu.memory_space<hbm>>) target(%arg8 : memref<80x128xf32, #tpu.memory_space<vmem>>) offsets(%dma_start3A_843 : memref<80xi32, #tpu.memory_space<vmem>>) semaphore(%dma_start3A_848 : memref<!tpu.dma_semaphore, #tpu.memory_space<semaphore_mem>>)
      } else {
      }
      %mul3A_609 = arith.constant 6 : i32
      %mul3A_610 = arith.muli %scan3A_499, %mul3A_609 : i32
      %add3A_611 = arith.constant 2 : i32
      %add3A_612 = arith.addi %mul3A_610, %add3A_611 : i32
      %dma_wait3A_613 = arith.constant 2 : i32
      %dma_wait3A_614 = arith.constant 0 : i32
      %dma_wait3A_615 = tpu.memref_slice %arg6[%dma_wait3A_614] : memref<10000xi32, #tpu.memory_space<vmem>> -> memref<80xi32, #tpu.memory_space<vmem>>
      %dma_wait3A_616 = arith.constant 0 : i32
      %dma_wait3A_617 = arith.constant 0 : i32
      %dma_wait3A_618 = tpu.memref_slice %arg2[%dma_wait3A_616, %dma_wait3A_617] : memref<10000x128xf32, #tpu.memory_space<hbm>> -> memref<10000x128xf32, #tpu.memory_space<hbm>>
      %dma_wait3A_619 = tpu.memref_slice %arg12[%dma_wait3A_613] : memref<3x!tpu.dma_semaphore, #tpu.memory_space<semaphore_mem>> -> memref<1x!tpu.dma_semaphore, #tpu.memory_space<semaphore_mem>>
      %dma_wait3A_620 = tpu.memref_squeeze %dma_wait3A_619 : memref<1x!tpu.dma_semaphore, #tpu.memory_space<semaphore_mem>> -> memref<!tpu.dma_semaphore, #tpu.memory_space<semaphore_mem>>
      tpu.wait_indirect_dma semaphore(%dma_wait3A_620 : memref<!tpu.dma_semaphore, #tpu.memory_space<semaphore_mem>>) src(%dma_wait3A_618 : memref<10000x128xf32, #tpu.memory_space<hbm>>) dst(%arg10 : memref<80x128xf32, #tpu.memory_space<vmem>>)
      %dma_wait3A_621 = arith.constant 2 : i32
      %dma_wait3A_622 = arith.constant 2 : i32
      %dma_wait3A_623 = arith.constant 0 : i32
      %dma_wait3A_624 = tpu.memref_slice %arg7[%dma_wait3A_621, %dma_wait3A_623] : memref<6x80xi32, #tpu.memory_space<vmem>> -> memref<1x80xi32, #tpu.memory_space<vmem>>
      %dma_wait3A_625 = tpu.memref_squeeze %dma_wait3A_624 : memref<1x80xi32, #tpu.memory_space<vmem>> -> memref<80xi32, #tpu.memory_space<vmem>>
      %dma_wait3A_626 = arith.constant 0 : i32
      %dma_wait3A_627 = tpu.memref_slice %arg4[%dma_wait3A_626] : memref<320000xi32, #tpu.memory_space<hbm>> -> memref<80xi32, #tpu.memory_space<hbm>>
      %dma_wait3A_628 = tpu.memref_slice %arg14[%dma_wait3A_622] : memref<6x!tpu.dma_semaphore, #tpu.memory_space<semaphore_mem>> -> memref<1x!tpu.dma_semaphore, #tpu.memory_space<semaphore_mem>>
      %dma_wait3A_629 = tpu.memref_squeeze %dma_wait3A_628 : memref<1x!tpu.dma_semaphore, #tpu.memory_space<semaphore_mem>> -> memref<!tpu.dma_semaphore, #tpu.memory_space<semaphore_mem>>
      %dma_wait3A_630 = arith.constant 0 : i32
      %dma_wait3A_631 = tpu.memref_slice %arg7[%dma_wait3A_621, %dma_wait3A_630] : memref<6x80xi32, #tpu.memory_space<vmem>> -> memref<1x80xi32, #tpu.memory_space<vmem>>
      %dma_wait3A_632 = tpu.memref_squeeze %dma_wait3A_631 : memref<1x80xi32, #tpu.memory_space<vmem>> -> memref<80xi32, #tpu.memory_space<vmem>>
      %dma_wait3A_633 = arith.constant 0 : i32
      %dma_wait3A_634 = tpu.memref_slice %arg4[%dma_wait3A_633] : memref<320000xi32, #tpu.memory_space<hbm>> -> memref<80xi32, #tpu.memory_space<hbm>>
      tpu.wait_dma2 semaphore(%dma_wait3A_629 : memref<!tpu.dma_semaphore, #tpu.memory_space<semaphore_mem>>) src(%dma_wait3A_634 : memref<80xi32, #tpu.memory_space<hbm>>) dst(%dma_wait3A_632 : memref<80xi32, #tpu.memory_space<vmem>>)
      %dma_start3A_635 = arith.constant 2 : i32
      %dma_start3A_636 = arith.constant 2 : i32
      %dma_start3A_637 = arith.constant 0 : i32
      %dma_start3A_638 = tpu.memref_slice %arg7[%dma_start3A_635, %dma_start3A_637] : memref<6x80xi32, #tpu.memory_space<vmem>> -> memref<1x80xi32, #tpu.memory_space<vmem>>
      %dma_start3A_639 = tpu.memref_squeeze %dma_start3A_638 : memref<1x80xi32, #tpu.memory_space<vmem>> -> memref<80xi32, #tpu.memory_space<vmem>>
      %dma_start3A_640 = arith.constant 0 : i32
      %dma_start3A_641 = arith.constant 0 : i32
      %dma_start3A_642 = tpu.memref_slice %arg11[%dma_start3A_640, %dma_start3A_641] : memref<10240x128xf32, #tpu.memory_space<vmem_shared>> -> memref<10240x128xf32, #tpu.memory_space<vmem_shared>>
      %dma_start3A_643 = tpu.memref_slice %arg13[%dma_start3A_636] : memref<3x!tpu.dma_semaphore, #tpu.memory_space<semaphore_mem>> -> memref<1x!tpu.dma_semaphore, #tpu.memory_space<semaphore_mem>>
      %dma_start3A_644 = tpu.memref_squeeze %dma_start3A_643 : memref<1x!tpu.dma_semaphore, #tpu.memory_space<semaphore_mem>> -> memref<!tpu.dma_semaphore, #tpu.memory_space<semaphore_mem>>
      tpu.enqueue_indirect_dma source(%arg10 : memref<80x128xf32, #tpu.memory_space<vmem>>) target(%dma_start3A_642 : memref<10240x128xf32, #tpu.memory_space<vmem_shared>>) offsets(%dma_start3A_639 : memref<80xi32, #tpu.memory_space<vmem>>) semaphore(%dma_start3A_644 : memref<!tpu.dma_semaphore, #tpu.memory_space<semaphore_mem>>) {add = true}
      %ge3A_645 = arith.constant 1 : i32
      %ge3A_646 = arith.cmpi sge, %add3A_612, %ge3A_645 : i32
      %convert_element_type3A_647 = arith.extui %ge3A_646 : i1 to i32
      %cond3A_648 = arith.constant 0 : i32
      %cond3A_649 = arith.cmpi ne, %convert_element_type3A_647, %cond3A_648 : i32
      scf.if %cond3A_649 {
        %dma_wait3A_837 = arith.constant 0 : i32
        %dma_wait3A_838 = arith.constant 1 : i32
        %dma_wait3A_839 = arith.constant 0 : i32
        %dma_wait3A_840 = tpu.memref_slice %arg7[%dma_wait3A_837, %dma_wait3A_839] : memref<6x80xi32, #tpu.memory_space<vmem>> -> memref<1x80xi32, #tpu.memory_space<vmem>>
        %dma_wait3A_841 = tpu.memref_squeeze %dma_wait3A_840 : memref<1x80xi32, #tpu.memory_space<vmem>> -> memref<80xi32, #tpu.memory_space<vmem>>
        %dma_wait3A_842 = arith.constant 0 : i32
        %dma_wait3A_843 = arith.constant 0 : i32
        %dma_wait3A_844 = tpu.memref_slice %arg11[%dma_wait3A_842, %dma_wait3A_843] : memref<10240x128xf32, #tpu.memory_space<vmem_shared>> -> memref<10240x128xf32, #tpu.memory_space<vmem_shared>>
        %dma_wait3A_845 = tpu.memref_slice %arg13[%dma_wait3A_838] : memref<3x!tpu.dma_semaphore, #tpu.memory_space<semaphore_mem>> -> memref<1x!tpu.dma_semaphore, #tpu.memory_space<semaphore_mem>>
        %dma_wait3A_846 = tpu.memref_squeeze %dma_wait3A_845 : memref<1x!tpu.dma_semaphore, #tpu.memory_space<semaphore_mem>> -> memref<!tpu.dma_semaphore, #tpu.memory_space<semaphore_mem>>
        tpu.wait_indirect_dma semaphore(%dma_wait3A_846 : memref<!tpu.dma_semaphore, #tpu.memory_space<semaphore_mem>>) src(%arg9 : memref<80x128xf32, #tpu.memory_space<vmem>>) dst(%dma_wait3A_844 : memref<10240x128xf32, #tpu.memory_space<vmem_shared>>)
      } else {
      }
      %add3A_650 = arith.constant 6 : i32
      %add3A_651 = arith.addi %add3A_612, %add3A_650 : i32
      %sub3A_652 = arith.constant 1 : i32
      %sub3A_653 = arith.subi %add3A_651, %sub3A_652 : i32
      %lt3A_654 = arith.constant 125 : i32
      %lt3A_655 = arith.cmpi slt, %sub3A_653, %lt3A_654 : i32
      %convert_element_type3A_656 = arith.extui %lt3A_655 : i1 to i32
      %cond3A_657 = arith.constant 0 : i32
      %cond3A_658 = arith.cmpi ne, %convert_element_type3A_656, %cond3A_657 : i32
      scf.if %cond3A_658 {
        %add3A_837 = arith.constant 6 : i32
        %add3A_838 = arith.addi %add3A_612, %add3A_837 : i32
        %sub3A_839 = arith.constant 1 : i32
        %sub3A_840 = arith.subi %add3A_838, %sub3A_839 : i32
        %mul3A_841 = arith.constant 80 : i32
        %mul3A_842 = arith.muli %sub3A_840, %mul3A_841 : i32
        %add3A_843 = arith.addi %multiple_of3A, %mul3A_842 : i32
        %multiple_of3A_844 = tpu.assume_multiple %add3A_843, 8 : i32
        %dma_start3A_845 = arith.constant 1 : i32
        %dma_start3A_846 = arith.constant 1 : i32
        %dma_start3A_847 = arith.constant 0 : i32
        %dma_start3A_848 = tpu.memref_slice %arg7[%dma_start3A_845, %dma_start3A_847] : memref<6x80xi32, #tpu.memory_space<vmem>> -> memref<1x80xi32, #tpu.memory_space<vmem>>
        %dma_start3A_849 = tpu.memref_squeeze %dma_start3A_848 : memref<1x80xi32, #tpu.memory_space<vmem>> -> memref<80xi32, #tpu.memory_space<vmem>>
        %dma_start3A_850 = tpu.memref_slice %arg4[%multiple_of3A_844] : memref<320000xi32, #tpu.memory_space<hbm>> -> memref<80xi32, #tpu.memory_space<hbm>>
        %dma_start3A_851 = tpu.memref_slice %arg14[%dma_start3A_846] : memref<6x!tpu.dma_semaphore, #tpu.memory_space<semaphore_mem>> -> memref<1x!tpu.dma_semaphore, #tpu.memory_space<semaphore_mem>>
        %dma_start3A_852 = tpu.memref_squeeze %dma_start3A_851 : memref<1x!tpu.dma_semaphore, #tpu.memory_space<semaphore_mem>> -> memref<!tpu.dma_semaphore, #tpu.memory_space<semaphore_mem>>
        %dma_start3A_853 = arith.constant 0 : i32
        %dma_start3A_854 = tpu.memref_slice %arg7[%dma_start3A_845, %dma_start3A_853] : memref<6x80xi32, #tpu.memory_space<vmem>> -> memref<1x80xi32, #tpu.memory_space<vmem>>
        %dma_start3A_855 = tpu.memref_squeeze %dma_start3A_854 : memref<1x80xi32, #tpu.memory_space<vmem>> -> memref<80xi32, #tpu.memory_space<vmem>>
        %dma_start3A_856 = tpu.memref_slice %arg4[%multiple_of3A_844] : memref<320000xi32, #tpu.memory_space<hbm>> -> memref<80xi32, #tpu.memory_space<hbm>>
        tpu.enqueue_dma source(%dma_start3A_856 : memref<80xi32, #tpu.memory_space<hbm>>) target(%dma_start3A_855 : memref<80xi32, #tpu.memory_space<vmem>>) target_semaphore(%dma_start3A_852 : memref<!tpu.dma_semaphore, #tpu.memory_space<semaphore_mem>>)
      } else {
      }
      %add3A_659 = arith.constant 2 : i32
      %add3A_660 = arith.addi %add3A_612, %add3A_659 : i32
      %lt3A_661 = arith.constant 125 : i32
      %lt3A_662 = arith.cmpi slt, %add3A_660, %lt3A_661 : i32
      %convert_element_type3A_663 = arith.extui %lt3A_662 : i1 to i32
      %cond3A_664 = arith.constant 0 : i32
      %cond3A_665 = arith.cmpi ne, %convert_element_type3A_663, %cond3A_664 : i32
      scf.if %cond3A_665 {
        %add3A_837 = arith.constant 2 : i32
        %add3A_838 = arith.addi %add3A_612, %add3A_837 : i32
        %mul3A_839 = arith.constant 80 : i32
        %mul3A_840 = arith.muli %add3A_838, %mul3A_839 : i32
        %multiple_of3A_841 = tpu.assume_multiple %mul3A_840, 8 : i32
        %dma_start3A_842 = arith.constant 1 : i32
        %dma_start3A_843 = tpu.memref_slice %arg6[%multiple_of3A_841] : memref<10000xi32, #tpu.memory_space<vmem>> -> memref<80xi32, #tpu.memory_space<vmem>>
        %dma_start3A_844 = arith.constant 0 : i32
        %dma_start3A_845 = arith.constant 0 : i32
        %dma_start3A_846 = tpu.memref_slice %arg2[%dma_start3A_844, %dma_start3A_845] : memref<10000x128xf32, #tpu.memory_space<hbm>> -> memref<10000x128xf32, #tpu.memory_space<hbm>>
        %dma_start3A_847 = tpu.memref_slice %arg12[%dma_start3A_842] : memref<3x!tpu.dma_semaphore, #tpu.memory_space<semaphore_mem>> -> memref<1x!tpu.dma_semaphore, #tpu.memory_space<semaphore_mem>>
        %dma_start3A_848 = tpu.memref_squeeze %dma_start3A_847 : memref<1x!tpu.dma_semaphore, #tpu.memory_space<semaphore_mem>> -> memref<!tpu.dma_semaphore, #tpu.memory_space<semaphore_mem>>
        tpu.enqueue_indirect_dma source(%dma_start3A_846 : memref<10000x128xf32, #tpu.memory_space<hbm>>) target(%arg9 : memref<80x128xf32, #tpu.memory_space<vmem>>) offsets(%dma_start3A_843 : memref<80xi32, #tpu.memory_space<vmem>>) semaphore(%dma_start3A_848 : memref<!tpu.dma_semaphore, #tpu.memory_space<semaphore_mem>>)
      } else {
      }
      %mul3A_666 = arith.constant 6 : i32
      %mul3A_667 = arith.muli %scan3A_499, %mul3A_666 : i32
      %add3A_668 = arith.constant 3 : i32
      %add3A_669 = arith.addi %mul3A_667, %add3A_668 : i32
      %dma_wait3A_670 = arith.constant 0 : i32
      %dma_wait3A_671 = arith.constant 0 : i32
      %dma_wait3A_672 = tpu.memref_slice %arg6[%dma_wait3A_671] : memref<10000xi32, #tpu.memory_space<vmem>> -> memref<80xi32, #tpu.memory_space<vmem>>
      %dma_wait3A_673 = arith.constant 0 : i32
      %dma_wait3A_674 = arith.constant 0 : i32
      %dma_wait3A_675 = tpu.memref_slice %arg2[%dma_wait3A_673, %dma_wait3A_674] : memref<10000x128xf32, #tpu.memory_space<hbm>> -> memref<10000x128xf32, #tpu.memory_space<hbm>>
      %dma_wait3A_676 = tpu.memref_slice %arg12[%dma_wait3A_670] : memref<3x!tpu.dma_semaphore, #tpu.memory_space<semaphore_mem>> -> memref<1x!tpu.dma_semaphore, #tpu.memory_space<semaphore_mem>>
      %dma_wait3A_677 = tpu.memref_squeeze %dma_wait3A_676 : memref<1x!tpu.dma_semaphore, #tpu.memory_space<semaphore_mem>> -> memref<!tpu.dma_semaphore, #tpu.memory_space<semaphore_mem>>
      tpu.wait_indirect_dma semaphore(%dma_wait3A_677 : memref<!tpu.dma_semaphore, #tpu.memory_space<semaphore_mem>>) src(%dma_wait3A_675 : memref<10000x128xf32, #tpu.memory_space<hbm>>) dst(%arg8 : memref<80x128xf32, #tpu.memory_space<vmem>>)
      %dma_wait3A_678 = arith.constant 3 : i32
      %dma_wait3A_679 = arith.constant 3 : i32
      %dma_wait3A_680 = arith.constant 0 : i32
      %dma_wait3A_681 = tpu.memref_slice %arg7[%dma_wait3A_678, %dma_wait3A_680] : memref<6x80xi32, #tpu.memory_space<vmem>> -> memref<1x80xi32, #tpu.memory_space<vmem>>
      %dma_wait3A_682 = tpu.memref_squeeze %dma_wait3A_681 : memref<1x80xi32, #tpu.memory_space<vmem>> -> memref<80xi32, #tpu.memory_space<vmem>>
      %dma_wait3A_683 = arith.constant 0 : i32
      %dma_wait3A_684 = tpu.memref_slice %arg4[%dma_wait3A_683] : memref<320000xi32, #tpu.memory_space<hbm>> -> memref<80xi32, #tpu.memory_space<hbm>>
      %dma_wait3A_685 = tpu.memref_slice %arg14[%dma_wait3A_679] : memref<6x!tpu.dma_semaphore, #tpu.memory_space<semaphore_mem>> -> memref<1x!tpu.dma_semaphore, #tpu.memory_space<semaphore_mem>>
      %dma_wait3A_686 = tpu.memref_squeeze %dma_wait3A_685 : memref<1x!tpu.dma_semaphore, #tpu.memory_space<semaphore_mem>> -> memref<!tpu.dma_semaphore, #tpu.memory_space<semaphore_mem>>
      %dma_wait3A_687 = arith.constant 0 : i32
      %dma_wait3A_688 = tpu.memref_slice %arg7[%dma_wait3A_678, %dma_wait3A_687] : memref<6x80xi32, #tpu.memory_space<vmem>> -> memref<1x80xi32, #tpu.memory_space<vmem>>
      %dma_wait3A_689 = tpu.memref_squeeze %dma_wait3A_688 : memref<1x80xi32, #tpu.memory_space<vmem>> -> memref<80xi32, #tpu.memory_space<vmem>>
      %dma_wait3A_690 = arith.constant 0 : i32
      %dma_wait3A_691 = tpu.memref_slice %arg4[%dma_wait3A_690] : memref<320000xi32, #tpu.memory_space<hbm>> -> memref<80xi32, #tpu.memory_space<hbm>>
      tpu.wait_dma2 semaphore(%dma_wait3A_686 : memref<!tpu.dma_semaphore, #tpu.memory_space<semaphore_mem>>) src(%dma_wait3A_691 : memref<80xi32, #tpu.memory_space<hbm>>) dst(%dma_wait3A_689 : memref<80xi32, #tpu.memory_space<vmem>>)
      %dma_start3A_692 = arith.constant 3 : i32
      %dma_start3A_693 = arith.constant 0 : i32
      %dma_start3A_694 = arith.constant 0 : i32
      %dma_start3A_695 = tpu.memref_slice %arg7[%dma_start3A_692, %dma_start3A_694] : memref<6x80xi32, #tpu.memory_space<vmem>> -> memref<1x80xi32, #tpu.memory_space<vmem>>
      %dma_start3A_696 = tpu.memref_squeeze %dma_start3A_695 : memref<1x80xi32, #tpu.memory_space<vmem>> -> memref<80xi32, #tpu.memory_space<vmem>>
      %dma_start3A_697 = arith.constant 0 : i32
      %dma_start3A_698 = arith.constant 0 : i32
      %dma_start3A_699 = tpu.memref_slice %arg11[%dma_start3A_697, %dma_start3A_698] : memref<10240x128xf32, #tpu.memory_space<vmem_shared>> -> memref<10240x128xf32, #tpu.memory_space<vmem_shared>>
      %dma_start3A_700 = tpu.memref_slice %arg13[%dma_start3A_693] : memref<3x!tpu.dma_semaphore, #tpu.memory_space<semaphore_mem>> -> memref<1x!tpu.dma_semaphore, #tpu.memory_space<semaphore_mem>>
      %dma_start3A_701 = tpu.memref_squeeze %dma_start3A_700 : memref<1x!tpu.dma_semaphore, #tpu.memory_space<semaphore_mem>> -> memref<!tpu.dma_semaphore, #tpu.memory_space<semaphore_mem>>
      tpu.enqueue_indirect_dma source(%arg8 : memref<80x128xf32, #tpu.memory_space<vmem>>) target(%dma_start3A_699 : memref<10240x128xf32, #tpu.memory_space<vmem_shared>>) offsets(%dma_start3A_696 : memref<80xi32, #tpu.memory_space<vmem>>) semaphore(%dma_start3A_701 : memref<!tpu.dma_semaphore, #tpu.memory_space<semaphore_mem>>) {add = true}
      %ge3A_702 = arith.constant 1 : i32
      %ge3A_703 = arith.cmpi sge, %add3A_669, %ge3A_702 : i32
      %convert_element_type3A_704 = arith.extui %ge3A_703 : i1 to i32
      %cond3A_705 = arith.constant 0 : i32
      %cond3A_706 = arith.cmpi ne, %convert_element_type3A_704, %cond3A_705 : i32
      scf.if %cond3A_706 {
        %dma_wait3A_837 = arith.constant 0 : i32
        %dma_wait3A_838 = arith.constant 2 : i32
        %dma_wait3A_839 = arith.constant 0 : i32
        %dma_wait3A_840 = tpu.memref_slice %arg7[%dma_wait3A_837, %dma_wait3A_839] : memref<6x80xi32, #tpu.memory_space<vmem>> -> memref<1x80xi32, #tpu.memory_space<vmem>>
        %dma_wait3A_841 = tpu.memref_squeeze %dma_wait3A_840 : memref<1x80xi32, #tpu.memory_space<vmem>> -> memref<80xi32, #tpu.memory_space<vmem>>
        %dma_wait3A_842 = arith.constant 0 : i32
        %dma_wait3A_843 = arith.constant 0 : i32
        %dma_wait3A_844 = tpu.memref_slice %arg11[%dma_wait3A_842, %dma_wait3A_843] : memref<10240x128xf32, #tpu.memory_space<vmem_shared>> -> memref<10240x128xf32, #tpu.memory_space<vmem_shared>>
        %dma_wait3A_845 = tpu.memref_slice %arg13[%dma_wait3A_838] : memref<3x!tpu.dma_semaphore, #tpu.memory_space<semaphore_mem>> -> memref<1x!tpu.dma_semaphore, #tpu.memory_space<semaphore_mem>>
        %dma_wait3A_846 = tpu.memref_squeeze %dma_wait3A_845 : memref<1x!tpu.dma_semaphore, #tpu.memory_space<semaphore_mem>> -> memref<!tpu.dma_semaphore, #tpu.memory_space<semaphore_mem>>
        tpu.wait_indirect_dma semaphore(%dma_wait3A_846 : memref<!tpu.dma_semaphore, #tpu.memory_space<semaphore_mem>>) src(%arg10 : memref<80x128xf32, #tpu.memory_space<vmem>>) dst(%dma_wait3A_844 : memref<10240x128xf32, #tpu.memory_space<vmem_shared>>)
      } else {
      }
      %add3A_707 = arith.constant 6 : i32
      %add3A_708 = arith.addi %add3A_669, %add3A_707 : i32
      %sub3A_709 = arith.constant 1 : i32
      %sub3A_710 = arith.subi %add3A_708, %sub3A_709 : i32
      %lt3A_711 = arith.constant 125 : i32
      %lt3A_712 = arith.cmpi slt, %sub3A_710, %lt3A_711 : i32
      %convert_element_type3A_713 = arith.extui %lt3A_712 : i1 to i32
      %cond3A_714 = arith.constant 0 : i32
      %cond3A_715 = arith.cmpi ne, %convert_element_type3A_713, %cond3A_714 : i32
      scf.if %cond3A_715 {
        %add3A_837 = arith.constant 6 : i32
        %add3A_838 = arith.addi %add3A_669, %add3A_837 : i32
        %sub3A_839 = arith.constant 1 : i32
        %sub3A_840 = arith.subi %add3A_838, %sub3A_839 : i32
        %mul3A_841 = arith.constant 80 : i32
        %mul3A_842 = arith.muli %sub3A_840, %mul3A_841 : i32
        %add3A_843 = arith.addi %multiple_of3A, %mul3A_842 : i32
        %multiple_of3A_844 = tpu.assume_multiple %add3A_843, 8 : i32
        %dma_start3A_845 = arith.constant 2 : i32
        %dma_start3A_846 = arith.constant 2 : i32
        %dma_start3A_847 = arith.constant 0 : i32
        %dma_start3A_848 = tpu.memref_slice %arg7[%dma_start3A_845, %dma_start3A_847] : memref<6x80xi32, #tpu.memory_space<vmem>> -> memref<1x80xi32, #tpu.memory_space<vmem>>
        %dma_start3A_849 = tpu.memref_squeeze %dma_start3A_848 : memref<1x80xi32, #tpu.memory_space<vmem>> -> memref<80xi32, #tpu.memory_space<vmem>>
        %dma_start3A_850 = tpu.memref_slice %arg4[%multiple_of3A_844] : memref<320000xi32, #tpu.memory_space<hbm>> -> memref<80xi32, #tpu.memory_space<hbm>>
        %dma_start3A_851 = tpu.memref_slice %arg14[%dma_start3A_846] : memref<6x!tpu.dma_semaphore, #tpu.memory_space<semaphore_mem>> -> memref<1x!tpu.dma_semaphore, #tpu.memory_space<semaphore_mem>>
        %dma_start3A_852 = tpu.memref_squeeze %dma_start3A_851 : memref<1x!tpu.dma_semaphore, #tpu.memory_space<semaphore_mem>> -> memref<!tpu.dma_semaphore, #tpu.memory_space<semaphore_mem>>
        %dma_start3A_853 = arith.constant 0 : i32
        %dma_start3A_854 = tpu.memref_slice %arg7[%dma_start3A_845, %dma_start3A_853] : memref<6x80xi32, #tpu.memory_space<vmem>> -> memref<1x80xi32, #tpu.memory_space<vmem>>
        %dma_start3A_855 = tpu.memref_squeeze %dma_start3A_854 : memref<1x80xi32, #tpu.memory_space<vmem>> -> memref<80xi32, #tpu.memory_space<vmem>>
        %dma_start3A_856 = tpu.memref_slice %arg4[%multiple_of3A_844] : memref<320000xi32, #tpu.memory_space<hbm>> -> memref<80xi32, #tpu.memory_space<hbm>>
        tpu.enqueue_dma source(%dma_start3A_856 : memref<80xi32, #tpu.memory_space<hbm>>) target(%dma_start3A_855 : memref<80xi32, #tpu.memory_space<vmem>>) target_semaphore(%dma_start3A_852 : memref<!tpu.dma_semaphore, #tpu.memory_space<semaphore_mem>>)
      } else {
      }
      %add3A_716 = arith.constant 2 : i32
      %add3A_717 = arith.addi %add3A_669, %add3A_716 : i32
      %lt3A_718 = arith.constant 125 : i32
      %lt3A_719 = arith.cmpi slt, %add3A_717, %lt3A_718 : i32
      %convert_element_type3A_720 = arith.extui %lt3A_719 : i1 to i32
      %cond3A_721 = arith.constant 0 : i32
      %cond3A_722 = arith.cmpi ne, %convert_element_type3A_720, %cond3A_721 : i32
      scf.if %cond3A_722 {
        %add3A_837 = arith.constant 2 : i32
        %add3A_838 = arith.addi %add3A_669, %add3A_837 : i32
        %mul3A_839 = arith.constant 80 : i32
        %mul3A_840 = arith.muli %add3A_838, %mul3A_839 : i32
        %multiple_of3A_841 = tpu.assume_multiple %mul3A_840, 8 : i32
        %dma_start3A_842 = arith.constant 2 : i32
        %dma_start3A_843 = tpu.memref_slice %arg6[%multiple_of3A_841] : memref<10000xi32, #tpu.memory_space<vmem>> -> memref<80xi32, #tpu.memory_space<vmem>>
        %dma_start3A_844 = arith.constant 0 : i32
        %dma_start3A_845 = arith.constant 0 : i32
        %dma_start3A_846 = tpu.memref_slice %arg2[%dma_start3A_844, %dma_start3A_845] : memref<10000x128xf32, #tpu.memory_space<hbm>> -> memref<10000x128xf32, #tpu.memory_space<hbm>>
        %dma_start3A_847 = tpu.memref_slice %arg12[%dma_start3A_842] : memref<3x!tpu.dma_semaphore, #tpu.memory_space<semaphore_mem>> -> memref<1x!tpu.dma_semaphore, #tpu.memory_space<semaphore_mem>>
        %dma_start3A_848 = tpu.memref_squeeze %dma_start3A_847 : memref<1x!tpu.dma_semaphore, #tpu.memory_space<semaphore_mem>> -> memref<!tpu.dma_semaphore, #tpu.memory_space<semaphore_mem>>
        tpu.enqueue_indirect_dma source(%dma_start3A_846 : memref<10000x128xf32, #tpu.memory_space<hbm>>) target(%arg10 : memref<80x128xf32, #tpu.memory_space<vmem>>) offsets(%dma_start3A_843 : memref<80xi32, #tpu.memory_space<vmem>>) semaphore(%dma_start3A_848 : memref<!tpu.dma_semaphore, #tpu.memory_space<semaphore_mem>>)
      } else {
      }
      %mul3A_723 = arith.constant 6 : i32
      %mul3A_724 = arith.muli %scan3A_499, %mul3A_723 : i32
      %add3A_725 = arith.constant 4 : i32
      %add3A_726 = arith.addi %mul3A_724, %add3A_725 : i32
      %dma_wait3A_727 = arith.constant 1 : i32
      %dma_wait3A_728 = arith.constant 0 : i32
      %dma_wait3A_729 = tpu.memref_slice %arg6[%dma_wait3A_728] : memref<10000xi32, #tpu.memory_space<vmem>> -> memref<80xi32, #tpu.memory_space<vmem>>
      %dma_wait3A_730 = arith.constant 0 : i32
      %dma_wait3A_731 = arith.constant 0 : i32
      %dma_wait3A_732 = tpu.memref_slice %arg2[%dma_wait3A_730, %dma_wait3A_731] : memref<10000x128xf32, #tpu.memory_space<hbm>> -> memref<10000x128xf32, #tpu.memory_space<hbm>>
      %dma_wait3A_733 = tpu.memref_slice %arg12[%dma_wait3A_727] : memref<3x!tpu.dma_semaphore, #tpu.memory_space<semaphore_mem>> -> memref<1x!tpu.dma_semaphore, #tpu.memory_space<semaphore_mem>>
      %dma_wait3A_734 = tpu.memref_squeeze %dma_wait3A_733 : memref<1x!tpu.dma_semaphore, #tpu.memory_space<semaphore_mem>> -> memref<!tpu.dma_semaphore, #tpu.memory_space<semaphore_mem>>
      tpu.wait_indirect_dma semaphore(%dma_wait3A_734 : memref<!tpu.dma_semaphore, #tpu.memory_space<semaphore_mem>>) src(%dma_wait3A_732 : memref<10000x128xf32, #tpu.memory_space<hbm>>) dst(%arg9 : memref<80x128xf32, #tpu.memory_space<vmem>>)
      %dma_wait3A_735 = arith.constant 4 : i32
      %dma_wait3A_736 = arith.constant 4 : i32
      %dma_wait3A_737 = arith.constant 0 : i32
      %dma_wait3A_738 = tpu.memref_slice %arg7[%dma_wait3A_735, %dma_wait3A_737] : memref<6x80xi32, #tpu.memory_space<vmem>> -> memref<1x80xi32, #tpu.memory_space<vmem>>
      %dma_wait3A_739 = tpu.memref_squeeze %dma_wait3A_738 : memref<1x80xi32, #tpu.memory_space<vmem>> -> memref<80xi32, #tpu.memory_space<vmem>>
      %dma_wait3A_740 = arith.constant 0 : i32
      %dma_wait3A_741 = tpu.memref_slice %arg4[%dma_wait3A_740] : memref<320000xi32, #tpu.memory_space<hbm>> -> memref<80xi32, #tpu.memory_space<hbm>>
      %dma_wait3A_742 = tpu.memref_slice %arg14[%dma_wait3A_736] : memref<6x!tpu.dma_semaphore, #tpu.memory_space<semaphore_mem>> -> memref<1x!tpu.dma_semaphore, #tpu.memory_space<semaphore_mem>>
      %dma_wait3A_743 = tpu.memref_squeeze %dma_wait3A_742 : memref<1x!tpu.dma_semaphore, #tpu.memory_space<semaphore_mem>> -> memref<!tpu.dma_semaphore, #tpu.memory_space<semaphore_mem>>
      %dma_wait3A_744 = arith.constant 0 : i32
      %dma_wait3A_745 = tpu.memref_slice %arg7[%dma_wait3A_735, %dma_wait3A_744] : memref<6x80xi32, #tpu.memory_space<vmem>> -> memref<1x80xi32, #tpu.memory_space<vmem>>
      %dma_wait3A_746 = tpu.memref_squeeze %dma_wait3A_745 : memref<1x80xi32, #tpu.memory_space<vmem>> -> memref<80xi32, #tpu.memory_space<vmem>>
      %dma_wait3A_747 = arith.constant 0 : i32
      %dma_wait3A_748 = tpu.memref_slice %arg4[%dma_wait3A_747] : memref<320000xi32, #tpu.memory_space<hbm>> -> memref<80xi32, #tpu.memory_space<hbm>>
      tpu.wait_dma2 semaphore(%dma_wait3A_743 : memref<!tpu.dma_semaphore, #tpu.memory_space<semaphore_mem>>) src(%dma_wait3A_748 : memref<80xi32, #tpu.memory_space<hbm>>) dst(%dma_wait3A_746 : memref<80xi32, #tpu.memory_space<vmem>>)
      %dma_start3A_749 = arith.constant 4 : i32
      %dma_start3A_750 = arith.constant 1 : i32
      %dma_start3A_751 = arith.constant 0 : i32
      %dma_start3A_752 = tpu.memref_slice %arg7[%dma_start3A_749, %dma_start3A_751] : memref<6x80xi32, #tpu.memory_space<vmem>> -> memref<1x80xi32, #tpu.memory_space<vmem>>
      %dma_start3A_753 = tpu.memref_squeeze %dma_start3A_752 : memref<1x80xi32, #tpu.memory_space<vmem>> -> memref<80xi32, #tpu.memory_space<vmem>>
      %dma_start3A_754 = arith.constant 0 : i32
      %dma_start3A_755 = arith.constant 0 : i32
      %dma_start3A_756 = tpu.memref_slice %arg11[%dma_start3A_754, %dma_start3A_755] : memref<10240x128xf32, #tpu.memory_space<vmem_shared>> -> memref<10240x128xf32, #tpu.memory_space<vmem_shared>>
      %dma_start3A_757 = tpu.memref_slice %arg13[%dma_start3A_750] : memref<3x!tpu.dma_semaphore, #tpu.memory_space<semaphore_mem>> -> memref<1x!tpu.dma_semaphore, #tpu.memory_space<semaphore_mem>>
      %dma_start3A_758 = tpu.memref_squeeze %dma_start3A_757 : memref<1x!tpu.dma_semaphore, #tpu.memory_space<semaphore_mem>> -> memref<!tpu.dma_semaphore, #tpu.memory_space<semaphore_mem>>
      tpu.enqueue_indirect_dma source(%arg9 : memref<80x128xf32, #tpu.memory_space<vmem>>) target(%dma_start3A_756 : memref<10240x128xf32, #tpu.memory_space<vmem_shared>>) offsets(%dma_start3A_753 : memref<80xi32, #tpu.memory_space<vmem>>) semaphore(%dma_start3A_758 : memref<!tpu.dma_semaphore, #tpu.memory_space<semaphore_mem>>) {add = true}
      %ge3A_759 = arith.constant 1 : i32
      %ge3A_760 = arith.cmpi sge, %add3A_726, %ge3A_759 : i32
      %convert_element_type3A_761 = arith.extui %ge3A_760 : i1 to i32
      %cond3A_762 = arith.constant 0 : i32
      %cond3A_763 = arith.cmpi ne, %convert_element_type3A_761, %cond3A_762 : i32
      scf.if %cond3A_763 {
        %dma_wait3A_837 = arith.constant 0 : i32
        %dma_wait3A_838 = arith.constant 0 : i32
        %dma_wait3A_839 = arith.constant 0 : i32
        %dma_wait3A_840 = tpu.memref_slice %arg7[%dma_wait3A_837, %dma_wait3A_839] : memref<6x80xi32, #tpu.memory_space<vmem>> -> memref<1x80xi32, #tpu.memory_space<vmem>>
        %dma_wait3A_841 = tpu.memref_squeeze %dma_wait3A_840 : memref<1x80xi32, #tpu.memory_space<vmem>> -> memref<80xi32, #tpu.memory_space<vmem>>
        %dma_wait3A_842 = arith.constant 0 : i32
        %dma_wait3A_843 = arith.constant 0 : i32
        %dma_wait3A_844 = tpu.memref_slice %arg11[%dma_wait3A_842, %dma_wait3A_843] : memref<10240x128xf32, #tpu.memory_space<vmem_shared>> -> memref<10240x128xf32, #tpu.memory_space<vmem_shared>>
        %dma_wait3A_845 = tpu.memref_slice %arg13[%dma_wait3A_838] : memref<3x!tpu.dma_semaphore, #tpu.memory_space<semaphore_mem>> -> memref<1x!tpu.dma_semaphore, #tpu.memory_space<semaphore_mem>>
        %dma_wait3A_846 = tpu.memref_squeeze %dma_wait3A_845 : memref<1x!tpu.dma_semaphore, #tpu.memory_space<semaphore_mem>> -> memref<!tpu.dma_semaphore, #tpu.memory_space<semaphore_mem>>
        tpu.wait_indirect_dma semaphore(%dma_wait3A_846 : memref<!tpu.dma_semaphore, #tpu.memory_space<semaphore_mem>>) src(%arg8 : memref<80x128xf32, #tpu.memory_space<vmem>>) dst(%dma_wait3A_844 : memref<10240x128xf32, #tpu.memory_space<vmem_shared>>)
      } else {
      }
      %add3A_764 = arith.constant 6 : i32
      %add3A_765 = arith.addi %add3A_726, %add3A_764 : i32
      %sub3A_766 = arith.constant 1 : i32
      %sub3A_767 = arith.subi %add3A_765, %sub3A_766 : i32
      %lt3A_768 = arith.constant 125 : i32
      %lt3A_769 = arith.cmpi slt, %sub3A_767, %lt3A_768 : i32
      %convert_element_type3A_770 = arith.extui %lt3A_769 : i1 to i32
      %cond3A_771 = arith.constant 0 : i32
      %cond3A_772 = arith.cmpi ne, %convert_element_type3A_770, %cond3A_771 : i32
      scf.if %cond3A_772 {
        %add3A_837 = arith.constant 6 : i32
        %add3A_838 = arith.addi %add3A_726, %add3A_837 : i32
        %sub3A_839 = arith.constant 1 : i32
        %sub3A_840 = arith.subi %add3A_838, %sub3A_839 : i32
        %mul3A_841 = arith.constant 80 : i32
        %mul3A_842 = arith.muli %sub3A_840, %mul3A_841 : i32
        %add3A_843 = arith.addi %multiple_of3A, %mul3A_842 : i32
        %multiple_of3A_844 = tpu.assume_multiple %add3A_843, 8 : i32
        %dma_start3A_845 = arith.constant 3 : i32
        %dma_start3A_846 = arith.constant 3 : i32
        %dma_start3A_847 = arith.constant 0 : i32
        %dma_start3A_848 = tpu.memref_slice %arg7[%dma_start3A_845, %dma_start3A_847] : memref<6x80xi32, #tpu.memory_space<vmem>> -> memref<1x80xi32, #tpu.memory_space<vmem>>
        %dma_start3A_849 = tpu.memref_squeeze %dma_start3A_848 : memref<1x80xi32, #tpu.memory_space<vmem>> -> memref<80xi32, #tpu.memory_space<vmem>>
        %dma_start3A_850 = tpu.memref_slice %arg4[%multiple_of3A_844] : memref<320000xi32, #tpu.memory_space<hbm>> -> memref<80xi32, #tpu.memory_space<hbm>>
        %dma_start3A_851 = tpu.memref_slice %arg14[%dma_start3A_846] : memref<6x!tpu.dma_semaphore, #tpu.memory_space<semaphore_mem>> -> memref<1x!tpu.dma_semaphore, #tpu.memory_space<semaphore_mem>>
        %dma_start3A_852 = tpu.memref_squeeze %dma_start3A_851 : memref<1x!tpu.dma_semaphore, #tpu.memory_space<semaphore_mem>> -> memref<!tpu.dma_semaphore, #tpu.memory_space<semaphore_mem>>
        %dma_start3A_853 = arith.constant 0 : i32
        %dma_start3A_854 = tpu.memref_slice %arg7[%dma_start3A_845, %dma_start3A_853] : memref<6x80xi32, #tpu.memory_space<vmem>> -> memref<1x80xi32, #tpu.memory_space<vmem>>
        %dma_start3A_855 = tpu.memref_squeeze %dma_start3A_854 : memref<1x80xi32, #tpu.memory_space<vmem>> -> memref<80xi32, #tpu.memory_space<vmem>>
        %dma_start3A_856 = tpu.memref_slice %arg4[%multiple_of3A_844] : memref<320000xi32, #tpu.memory_space<hbm>> -> memref<80xi32, #tpu.memory_space<hbm>>
        tpu.enqueue_dma source(%dma_start3A_856 : memref<80xi32, #tpu.memory_space<hbm>>) target(%dma_start3A_855 : memref<80xi32, #tpu.memory_space<vmem>>) target_semaphore(%dma_start3A_852 : memref<!tpu.dma_semaphore, #tpu.memory_space<semaphore_mem>>)
      } else {
      }
      %add3A_773 = arith.constant 2 : i32
      %add3A_774 = arith.addi %add3A_726, %add3A_773 : i32
      %lt3A_775 = arith.constant 125 : i32
      %lt3A_776 = arith.cmpi slt, %add3A_774, %lt3A_775 : i32
      %convert_element_type3A_777 = arith.extui %lt3A_776 : i1 to i32
      %cond3A_778 = arith.constant 0 : i32
      %cond3A_779 = arith.cmpi ne, %convert_element_type3A_777, %cond3A_778 : i32
      scf.if %cond3A_779 {
        %add3A_837 = arith.constant 2 : i32
        %add3A_838 = arith.addi %add3A_726, %add3A_837 : i32
        %mul3A_839 = arith.constant 80 : i32
        %mul3A_840 = arith.muli %add3A_838, %mul3A_839 : i32
        %multiple_of3A_841 = tpu.assume_multiple %mul3A_840, 8 : i32
        %dma_start3A_842 = arith.constant 0 : i32
        %dma_start3A_843 = tpu.memref_slice %arg6[%multiple_of3A_841] : memref<10000xi32, #tpu.memory_space<vmem>> -> memref<80xi32, #tpu.memory_space<vmem>>
        %dma_start3A_844 = arith.constant 0 : i32
        %dma_start3A_845 = arith.constant 0 : i32
        %dma_start3A_846 = tpu.memref_slice %arg2[%dma_start3A_844, %dma_start3A_845] : memref<10000x128xf32, #tpu.memory_space<hbm>> -> memref<10000x128xf32, #tpu.memory_space<hbm>>
        %dma_start3A_847 = tpu.memref_slice %arg12[%dma_start3A_842] : memref<3x!tpu.dma_semaphore, #tpu.memory_space<semaphore_mem>> -> memref<1x!tpu.dma_semaphore, #tpu.memory_space<semaphore_mem>>
        %dma_start3A_848 = tpu.memref_squeeze %dma_start3A_847 : memref<1x!tpu.dma_semaphore, #tpu.memory_space<semaphore_mem>> -> memref<!tpu.dma_semaphore, #tpu.memory_space<semaphore_mem>>
        tpu.enqueue_indirect_dma source(%dma_start3A_846 : memref<10000x128xf32, #tpu.memory_space<hbm>>) target(%arg8 : memref<80x128xf32, #tpu.memory_space<vmem>>) offsets(%dma_start3A_843 : memref<80xi32, #tpu.memory_space<vmem>>) semaphore(%dma_start3A_848 : memref<!tpu.dma_semaphore, #tpu.memory_space<semaphore_mem>>)
      } else {
      }
      %mul3A_780 = arith.constant 6 : i32
      %mul3A_781 = arith.muli %scan3A_499, %mul3A_780 : i32
      %add3A_782 = arith.constant 5 : i32
      %add3A_783 = arith.addi %mul3A_781, %add3A_782 : i32
      %dma_wait3A_784 = arith.constant 2 : i32
      %dma_wait3A_785 = arith.constant 0 : i32
      %dma_wait3A_786 = tpu.memref_slice %arg6[%dma_wait3A_785] : memref<10000xi32, #tpu.memory_space<vmem>> -> memref<80xi32, #tpu.memory_space<vmem>>
      %dma_wait3A_787 = arith.constant 0 : i32
      %dma_wait3A_788 = arith.constant 0 : i32
      %dma_wait3A_789 = tpu.memref_slice %arg2[%dma_wait3A_787, %dma_wait3A_788] : memref<10000x128xf32, #tpu.memory_space<hbm>> -> memref<10000x128xf32, #tpu.memory_space<hbm>>
      %dma_wait3A_790 = tpu.memref_slice %arg12[%dma_wait3A_784] : memref<3x!tpu.dma_semaphore, #tpu.memory_space<semaphore_mem>> -> memref<1x!tpu.dma_semaphore, #tpu.memory_space<semaphore_mem>>
      %dma_wait3A_791 = tpu.memref_squeeze %dma_wait3A_790 : memref<1x!tpu.dma_semaphore, #tpu.memory_space<semaphore_mem>> -> memref<!tpu.dma_semaphore, #tpu.memory_space<semaphore_mem>>
      tpu.wait_indirect_dma semaphore(%dma_wait3A_791 : memref<!tpu.dma_semaphore, #tpu.memory_space<semaphore_mem>>) src(%dma_wait3A_789 : memref<10000x128xf32, #tpu.memory_space<hbm>>) dst(%arg10 : memref<80x128xf32, #tpu.memory_space<vmem>>)
      %dma_wait3A_792 = arith.constant 5 : i32
      %dma_wait3A_793 = arith.constant 5 : i32
      %dma_wait3A_794 = arith.constant 0 : i32
      %dma_wait3A_795 = tpu.memref_slice %arg7[%dma_wait3A_792, %dma_wait3A_794] : memref<6x80xi32, #tpu.memory_space<vmem>> -> memref<1x80xi32, #tpu.memory_space<vmem>>
      %dma_wait3A_796 = tpu.memref_squeeze %dma_wait3A_795 : memref<1x80xi32, #tpu.memory_space<vmem>> -> memref<80xi32, #tpu.memory_space<vmem>>
      %dma_wait3A_797 = arith.constant 0 : i32
      %dma_wait3A_798 = tpu.memref_slice %arg4[%dma_wait3A_797] : memref<320000xi32, #tpu.memory_space<hbm>> -> memref<80xi32, #tpu.memory_space<hbm>>
      %dma_wait3A_799 = tpu.memref_slice %arg14[%dma_wait3A_793] : memref<6x!tpu.dma_semaphore, #tpu.memory_space<semaphore_mem>> -> memref<1x!tpu.dma_semaphore, #tpu.memory_space<semaphore_mem>>
      %dma_wait3A_800 = tpu.memref_squeeze %dma_wait3A_799 : memref<1x!tpu.dma_semaphore, #tpu.memory_space<semaphore_mem>> -> memref<!tpu.dma_semaphore, #tpu.memory_space<semaphore_mem>>
      %dma_wait3A_801 = arith.constant 0 : i32
      %dma_wait3A_802 = tpu.memref_slice %arg7[%dma_wait3A_792, %dma_wait3A_801] : memref<6x80xi32, #tpu.memory_space<vmem>> -> memref<1x80xi32, #tpu.memory_space<vmem>>
      %dma_wait3A_803 = tpu.memref_squeeze %dma_wait3A_802 : memref<1x80xi32, #tpu.memory_space<vmem>> -> memref<80xi32, #tpu.memory_space<vmem>>
      %dma_wait3A_804 = arith.constant 0 : i32
      %dma_wait3A_805 = tpu.memref_slice %arg4[%dma_wait3A_804] : memref<320000xi32, #tpu.memory_space<hbm>> -> memref<80xi32, #tpu.memory_space<hbm>>
      tpu.wait_dma2 semaphore(%dma_wait3A_800 : memref<!tpu.dma_semaphore, #tpu.memory_space<semaphore_mem>>) src(%dma_wait3A_805 : memref<80xi32, #tpu.memory_space<hbm>>) dst(%dma_wait3A_803 : memref<80xi32, #tpu.memory_space<vmem>>)
      %dma_start3A_806 = arith.constant 5 : i32
      %dma_start3A_807 = arith.constant 2 : i32
      %dma_start3A_808 = arith.constant 0 : i32
      %dma_start3A_809 = tpu.memref_slice %arg7[%dma_start3A_806, %dma_start3A_808] : memref<6x80xi32, #tpu.memory_space<vmem>> -> memref<1x80xi32, #tpu.memory_space<vmem>>
      %dma_start3A_810 = tpu.memref_squeeze %dma_start3A_809 : memref<1x80xi32, #tpu.memory_space<vmem>> -> memref<80xi32, #tpu.memory_space<vmem>>
      %dma_start3A_811 = arith.constant 0 : i32
      %dma_start3A_812 = arith.constant 0 : i32
      %dma_start3A_813 = tpu.memref_slice %arg11[%dma_start3A_811, %dma_start3A_812] : memref<10240x128xf32, #tpu.memory_space<vmem_shared>> -> memref<10240x128xf32, #tpu.memory_space<vmem_shared>>
      %dma_start3A_814 = tpu.memref_slice %arg13[%dma_start3A_807] : memref<3x!tpu.dma_semaphore, #tpu.memory_space<semaphore_mem>> -> memref<1x!tpu.dma_semaphore, #tpu.memory_space<semaphore_mem>>
      %dma_start3A_815 = tpu.memref_squeeze %dma_start3A_814 : memref<1x!tpu.dma_semaphore, #tpu.memory_space<semaphore_mem>> -> memref<!tpu.dma_semaphore, #tpu.memory_space<semaphore_mem>>
      tpu.enqueue_indirect_dma source(%arg10 : memref<80x128xf32, #tpu.memory_space<vmem>>) target(%dma_start3A_813 : memref<10240x128xf32, #tpu.memory_space<vmem_shared>>) offsets(%dma_start3A_810 : memref<80xi32, #tpu.memory_space<vmem>>) semaphore(%dma_start3A_815 : memref<!tpu.dma_semaphore, #tpu.memory_space<semaphore_mem>>) {add = true}
      %ge3A_816 = arith.constant 1 : i32
      %ge3A_817 = arith.cmpi sge, %add3A_783, %ge3A_816 : i32
      %convert_element_type3A_818 = arith.extui %ge3A_817 : i1 to i32
      %cond3A_819 = arith.constant 0 : i32
      %cond3A_820 = arith.cmpi ne, %convert_element_type3A_818, %cond3A_819 : i32
      scf.if %cond3A_820 {
        %dma_wait3A_837 = arith.constant 0 : i32
        %dma_wait3A_838 = arith.constant 1 : i32
        %dma_wait3A_839 = arith.constant 0 : i32
        %dma_wait3A_840 = tpu.memref_slice %arg7[%dma_wait3A_837, %dma_wait3A_839] : memref<6x80xi32, #tpu.memory_space<vmem>> -> memref<1x80xi32, #tpu.memory_space<vmem>>
        %dma_wait3A_841 = tpu.memref_squeeze %dma_wait3A_840 : memref<1x80xi32, #tpu.memory_space<vmem>> -> memref<80xi32, #tpu.memory_space<vmem>>
        %dma_wait3A_842 = arith.constant 0 : i32
        %dma_wait3A_843 = arith.constant 0 : i32
        %dma_wait3A_844 = tpu.memref_slice %arg11[%dma_wait3A_842, %dma_wait3A_843] : memref<10240x128xf32, #tpu.memory_space<vmem_shared>> -> memref<10240x128xf32, #tpu.memory_space<vmem_shared>>
        %dma_wait3A_845 = tpu.memref_slice %arg13[%dma_wait3A_838] : memref<3x!tpu.dma_semaphore, #tpu.memory_space<semaphore_mem>> -> memref<1x!tpu.dma_semaphore, #tpu.memory_space<semaphore_mem>>
        %dma_wait3A_846 = tpu.memref_squeeze %dma_wait3A_845 : memref<1x!tpu.dma_semaphore, #tpu.memory_space<semaphore_mem>> -> memref<!tpu.dma_semaphore, #tpu.memory_space<semaphore_mem>>
        tpu.wait_indirect_dma semaphore(%dma_wait3A_846 : memref<!tpu.dma_semaphore, #tpu.memory_space<semaphore_mem>>) src(%arg9 : memref<80x128xf32, #tpu.memory_space<vmem>>) dst(%dma_wait3A_844 : memref<10240x128xf32, #tpu.memory_space<vmem_shared>>)
      } else {
      }
      %add3A_821 = arith.constant 6 : i32
      %add3A_822 = arith.addi %add3A_783, %add3A_821 : i32
      %sub3A_823 = arith.constant 1 : i32
      %sub3A_824 = arith.subi %add3A_822, %sub3A_823 : i32
      %lt3A_825 = arith.constant 125 : i32
      %lt3A_826 = arith.cmpi slt, %sub3A_824, %lt3A_825 : i32
      %convert_element_type3A_827 = arith.extui %lt3A_826 : i1 to i32
      %cond3A_828 = arith.constant 0 : i32
      %cond3A_829 = arith.cmpi ne, %convert_element_type3A_827, %cond3A_828 : i32
      scf.if %cond3A_829 {
        %add3A_837 = arith.constant 6 : i32
        %add3A_838 = arith.addi %add3A_783, %add3A_837 : i32
        %sub3A_839 = arith.constant 1 : i32
        %sub3A_840 = arith.subi %add3A_838, %sub3A_839 : i32
        %mul3A_841 = arith.constant 80 : i32
        %mul3A_842 = arith.muli %sub3A_840, %mul3A_841 : i32
        %add3A_843 = arith.addi %multiple_of3A, %mul3A_842 : i32
        %multiple_of3A_844 = tpu.assume_multiple %add3A_843, 8 : i32
        %dma_start3A_845 = arith.constant 4 : i32
        %dma_start3A_846 = arith.constant 4 : i32
        %dma_start3A_847 = arith.constant 0 : i32
        %dma_start3A_848 = tpu.memref_slice %arg7[%dma_start3A_845, %dma_start3A_847] : memref<6x80xi32, #tpu.memory_space<vmem>> -> memref<1x80xi32, #tpu.memory_space<vmem>>
        %dma_start3A_849 = tpu.memref_squeeze %dma_start3A_848 : memref<1x80xi32, #tpu.memory_space<vmem>> -> memref<80xi32, #tpu.memory_space<vmem>>
        %dma_start3A_850 = tpu.memref_slice %arg4[%multiple_of3A_844] : memref<320000xi32, #tpu.memory_space<hbm>> -> memref<80xi32, #tpu.memory_space<hbm>>
        %dma_start3A_851 = tpu.memref_slice %arg14[%dma_start3A_846] : memref<6x!tpu.dma_semaphore, #tpu.memory_space<semaphore_mem>> -> memref<1x!tpu.dma_semaphore, #tpu.memory_space<semaphore_mem>>
        %dma_start3A_852 = tpu.memref_squeeze %dma_start3A_851 : memref<1x!tpu.dma_semaphore, #tpu.memory_space<semaphore_mem>> -> memref<!tpu.dma_semaphore, #tpu.memory_space<semaphore_mem>>
        %dma_start3A_853 = arith.constant 0 : i32
        %dma_start3A_854 = tpu.memref_slice %arg7[%dma_start3A_845, %dma_start3A_853] : memref<6x80xi32, #tpu.memory_space<vmem>> -> memref<1x80xi32, #tpu.memory_space<vmem>>
        %dma_start3A_855 = tpu.memref_squeeze %dma_start3A_854 : memref<1x80xi32, #tpu.memory_space<vmem>> -> memref<80xi32, #tpu.memory_space<vmem>>
        %dma_start3A_856 = tpu.memref_slice %arg4[%multiple_of3A_844] : memref<320000xi32, #tpu.memory_space<hbm>> -> memref<80xi32, #tpu.memory_space<hbm>>
        tpu.enqueue_dma source(%dma_start3A_856 : memref<80xi32, #tpu.memory_space<hbm>>) target(%dma_start3A_855 : memref<80xi32, #tpu.memory_space<vmem>>) target_semaphore(%dma_start3A_852 : memref<!tpu.dma_semaphore, #tpu.memory_space<semaphore_mem>>)
      } else {
      }
      %add3A_830 = arith.constant 2 : i32
      %add3A_831 = arith.addi %add3A_783, %add3A_830 : i32
      %lt3A_832 = arith.constant 125 : i32
      %lt3A_833 = arith.cmpi slt, %add3A_831, %lt3A_832 : i32
      %convert_element_type3A_834 = arith.extui %lt3A_833 : i1 to i32
      %cond3A_835 = arith.constant 0 : i32
      %cond3A_836 = arith.cmpi ne, %convert_element_type3A_834, %cond3A_835 : i32
      scf.if %cond3A_836 {
        %add3A_837 = arith.constant 2 : i32
        %add3A_838 = arith.addi %add3A_783, %add3A_837 : i32
        %mul3A_839 = arith.constant 80 : i32
        %mul3A_840 = arith.muli %add3A_838, %mul3A_839 : i32
        %multiple_of3A_841 = tpu.assume_multiple %mul3A_840, 8 : i32
        %dma_start3A_842 = arith.constant 1 : i32
        %dma_start3A_843 = tpu.memref_slice %arg6[%multiple_of3A_841] : memref<10000xi32, #tpu.memory_space<vmem>> -> memref<80xi32, #tpu.memory_space<vmem>>
        %dma_start3A_844 = arith.constant 0 : i32
        %dma_start3A_845 = arith.constant 0 : i32
        %dma_start3A_846 = tpu.memref_slice %arg2[%dma_start3A_844, %dma_start3A_845] : memref<10000x128xf32, #tpu.memory_space<hbm>> -> memref<10000x128xf32, #tpu.memory_space<hbm>>
        %dma_start3A_847 = tpu.memref_slice %arg12[%dma_start3A_842] : memref<3x!tpu.dma_semaphore, #tpu.memory_space<semaphore_mem>> -> memref<1x!tpu.dma_semaphore, #tpu.memory_space<semaphore_mem>>
        %dma_start3A_848 = tpu.memref_squeeze %dma_start3A_847 : memref<1x!tpu.dma_semaphore, #tpu.memory_space<semaphore_mem>> -> memref<!tpu.dma_semaphore, #tpu.memory_space<semaphore_mem>>
        tpu.enqueue_indirect_dma source(%dma_start3A_846 : memref<10000x128xf32, #tpu.memory_space<hbm>>) target(%arg9 : memref<80x128xf32, #tpu.memory_space<vmem>>) offsets(%dma_start3A_843 : memref<80xi32, #tpu.memory_space<vmem>>) semaphore(%dma_start3A_848 : memref<!tpu.dma_semaphore, #tpu.memory_space<semaphore_mem>>)
      } else {
      }
    }
    %scan3A_253 = arith.constant 20 : i32
    %dma_wait3A_254 = arith.constant 0 : i32
    %dma_wait3A_255 = arith.constant 0 : i32
    %dma_wait3A_256 = tpu.memref_slice %arg6[%dma_wait3A_255] : memref<10000xi32, #tpu.memory_space<vmem>> -> memref<80xi32, #tpu.memory_space<vmem>>
    %dma_wait3A_257 = arith.constant 0 : i32
    %dma_wait3A_258 = arith.constant 0 : i32
    %dma_wait3A_259 = tpu.memref_slice %arg2[%dma_wait3A_257, %dma_wait3A_258] : memref<10000x128xf32, #tpu.memory_space<hbm>> -> memref<10000x128xf32, #tpu.memory_space<hbm>>
    %dma_wait3A_260 = tpu.memref_slice %arg12[%dma_wait3A_254] : memref<3x!tpu.dma_semaphore, #tpu.memory_space<semaphore_mem>> -> memref<1x!tpu.dma_semaphore, #tpu.memory_space<semaphore_mem>>
    %dma_wait3A_261 = tpu.memref_squeeze %dma_wait3A_260 : memref<1x!tpu.dma_semaphore, #tpu.memory_space<semaphore_mem>> -> memref<!tpu.dma_semaphore, #tpu.memory_space<semaphore_mem>>
    tpu.wait_indirect_dma semaphore(%dma_wait3A_261 : memref<!tpu.dma_semaphore, #tpu.memory_space<semaphore_mem>>) src(%dma_wait3A_259 : memref<10000x128xf32, #tpu.memory_space<hbm>>) dst(%arg8 : memref<80x128xf32, #tpu.memory_space<vmem>>)
    %dma_wait3A_262 = arith.constant 0 : i32
    %dma_wait3A_263 = arith.constant 0 : i32
    %dma_wait3A_264 = arith.constant 0 : i32
    %dma_wait3A_265 = tpu.memref_slice %arg7[%dma_wait3A_262, %dma_wait3A_264] : memref<6x80xi32, #tpu.memory_space<vmem>> -> memref<1x80xi32, #tpu.memory_space<vmem>>
    %dma_wait3A_266 = tpu.memref_squeeze %dma_wait3A_265 : memref<1x80xi32, #tpu.memory_space<vmem>> -> memref<80xi32, #tpu.memory_space<vmem>>
    %dma_wait3A_267 = arith.constant 0 : i32
    %dma_wait3A_268 = tpu.memref_slice %arg4[%dma_wait3A_267] : memref<320000xi32, #tpu.memory_space<hbm>> -> memref<80xi32, #tpu.memory_space<hbm>>
    %dma_wait3A_269 = tpu.memref_slice %arg14[%dma_wait3A_263] : memref<6x!tpu.dma_semaphore, #tpu.memory_space<semaphore_mem>> -> memref<1x!tpu.dma_semaphore, #tpu.memory_space<semaphore_mem>>
    %dma_wait3A_270 = tpu.memref_squeeze %dma_wait3A_269 : memref<1x!tpu.dma_semaphore, #tpu.memory_space<semaphore_mem>> -> memref<!tpu.dma_semaphore, #tpu.memory_space<semaphore_mem>>
    %dma_wait3A_271 = arith.constant 0 : i32
    %dma_wait3A_272 = tpu.memref_slice %arg7[%dma_wait3A_262, %dma_wait3A_271] : memref<6x80xi32, #tpu.memory_space<vmem>> -> memref<1x80xi32, #tpu.memory_space<vmem>>
    %dma_wait3A_273 = tpu.memref_squeeze %dma_wait3A_272 : memref<1x80xi32, #tpu.memory_space<vmem>> -> memref<80xi32, #tpu.memory_space<vmem>>
    %dma_wait3A_274 = arith.constant 0 : i32
    %dma_wait3A_275 = tpu.memref_slice %arg4[%dma_wait3A_274] : memref<320000xi32, #tpu.memory_space<hbm>> -> memref<80xi32, #tpu.memory_space<hbm>>
    tpu.wait_dma2 semaphore(%dma_wait3A_270 : memref<!tpu.dma_semaphore, #tpu.memory_space<semaphore_mem>>) src(%dma_wait3A_275 : memref<80xi32, #tpu.memory_space<hbm>>) dst(%dma_wait3A_273 : memref<80xi32, #tpu.memory_space<vmem>>)
    %dma_start3A_276 = arith.constant 0 : i32
    %dma_start3A_277 = arith.constant 0 : i32
    %dma_start3A_278 = arith.constant 0 : i32
    %dma_start3A_279 = tpu.memref_slice %arg7[%dma_start3A_276, %dma_start3A_278] : memref<6x80xi32, #tpu.memory_space<vmem>> -> memref<1x80xi32, #tpu.memory_space<vmem>>
    %dma_start3A_280 = tpu.memref_squeeze %dma_start3A_279 : memref<1x80xi32, #tpu.memory_space<vmem>> -> memref<80xi32, #tpu.memory_space<vmem>>
    %dma_start3A_281 = arith.constant 0 : i32
    %dma_start3A_282 = arith.constant 0 : i32
    %dma_start3A_283 = tpu.memref_slice %arg11[%dma_start3A_281, %dma_start3A_282] : memref<10240x128xf32, #tpu.memory_space<vmem_shared>> -> memref<10240x128xf32, #tpu.memory_space<vmem_shared>>
    %dma_start3A_284 = tpu.memref_slice %arg13[%dma_start3A_277] : memref<3x!tpu.dma_semaphore, #tpu.memory_space<semaphore_mem>> -> memref<1x!tpu.dma_semaphore, #tpu.memory_space<semaphore_mem>>
    %dma_start3A_285 = tpu.memref_squeeze %dma_start3A_284 : memref<1x!tpu.dma_semaphore, #tpu.memory_space<semaphore_mem>> -> memref<!tpu.dma_semaphore, #tpu.memory_space<semaphore_mem>>
    tpu.enqueue_indirect_dma source(%arg8 : memref<80x128xf32, #tpu.memory_space<vmem>>) target(%dma_start3A_283 : memref<10240x128xf32, #tpu.memory_space<vmem_shared>>) offsets(%dma_start3A_280 : memref<80xi32, #tpu.memory_space<vmem>>) semaphore(%dma_start3A_285 : memref<!tpu.dma_semaphore, #tpu.memory_space<semaphore_mem>>) {add = true}
    %dma_wait3A_286 = arith.constant 0 : i32
    %dma_wait3A_287 = arith.constant 2 : i32
    %dma_wait3A_288 = arith.constant 0 : i32
    %dma_wait3A_289 = tpu.memref_slice %arg7[%dma_wait3A_286, %dma_wait3A_288] : memref<6x80xi32, #tpu.memory_space<vmem>> -> memref<1x80xi32, #tpu.memory_space<vmem>>
    %dma_wait3A_290 = tpu.memref_squeeze %dma_wait3A_289 : memref<1x80xi32, #tpu.memory_space<vmem>> -> memref<80xi32, #tpu.memory_space<vmem>>
    %dma_wait3A_291 = arith.constant 0 : i32
    %dma_wait3A_292 = arith.constant 0 : i32
    %dma_wait3A_293 = tpu.memref_slice %arg11[%dma_wait3A_291, %dma_wait3A_292] : memref<10240x128xf32, #tpu.memory_space<vmem_shared>> -> memref<10240x128xf32, #tpu.memory_space<vmem_shared>>
    %dma_wait3A_294 = tpu.memref_slice %arg13[%dma_wait3A_287] : memref<3x!tpu.dma_semaphore, #tpu.memory_space<semaphore_mem>> -> memref<1x!tpu.dma_semaphore, #tpu.memory_space<semaphore_mem>>
    %dma_wait3A_295 = tpu.memref_squeeze %dma_wait3A_294 : memref<1x!tpu.dma_semaphore, #tpu.memory_space<semaphore_mem>> -> memref<!tpu.dma_semaphore, #tpu.memory_space<semaphore_mem>>
    tpu.wait_indirect_dma semaphore(%dma_wait3A_295 : memref<!tpu.dma_semaphore, #tpu.memory_space<semaphore_mem>>) src(%arg10 : memref<80x128xf32, #tpu.memory_space<vmem>>) dst(%dma_wait3A_293 : memref<10240x128xf32, #tpu.memory_space<vmem_shared>>)
    %dma_start3A_296 = arith.constant 2 : i32
    %dma_start3A_297 = arith.constant 9760 : i32
    %dma_start3A_298 = tpu.memref_slice %arg6[%dma_start3A_297] : memref<10000xi32, #tpu.memory_space<vmem>> -> memref<80xi32, #tpu.memory_space<vmem>>
    %dma_start3A_299 = arith.constant 0 : i32
    %dma_start3A_300 = arith.constant 0 : i32
    %dma_start3A_301 = tpu.memref_slice %arg2[%dma_start3A_299, %dma_start3A_300] : memref<10000x128xf32, #tpu.memory_space<hbm>> -> memref<10000x128xf32, #tpu.memory_space<hbm>>
    %dma_start3A_302 = tpu.memref_slice %arg12[%dma_start3A_296] : memref<3x!tpu.dma_semaphore, #tpu.memory_space<semaphore_mem>> -> memref<1x!tpu.dma_semaphore, #tpu.memory_space<semaphore_mem>>
    %dma_start3A_303 = tpu.memref_squeeze %dma_start3A_302 : memref<1x!tpu.dma_semaphore, #tpu.memory_space<semaphore_mem>> -> memref<!tpu.dma_semaphore, #tpu.memory_space<semaphore_mem>>
    tpu.enqueue_indirect_dma source(%dma_start3A_301 : memref<10000x128xf32, #tpu.memory_space<hbm>>) target(%arg10 : memref<80x128xf32, #tpu.memory_space<vmem>>) offsets(%dma_start3A_298 : memref<80xi32, #tpu.memory_space<vmem>>) semaphore(%dma_start3A_303 : memref<!tpu.dma_semaphore, #tpu.memory_space<semaphore_mem>>)
    %dma_wait3A_304 = arith.constant 1 : i32
    %dma_wait3A_305 = arith.constant 0 : i32
    %dma_wait3A_306 = tpu.memref_slice %arg6[%dma_wait3A_305] : memref<10000xi32, #tpu.memory_space<vmem>> -> memref<80xi32, #tpu.memory_space<vmem>>
    %dma_wait3A_307 = arith.constant 0 : i32
    %dma_wait3A_308 = arith.constant 0 : i32
    %dma_wait3A_309 = tpu.memref_slice %arg2[%dma_wait3A_307, %dma_wait3A_308] : memref<10000x128xf32, #tpu.memory_space<hbm>> -> memref<10000x128xf32, #tpu.memory_space<hbm>>
    %dma_wait3A_310 = tpu.memref_slice %arg12[%dma_wait3A_304] : memref<3x!tpu.dma_semaphore, #tpu.memory_space<semaphore_mem>> -> memref<1x!tpu.dma_semaphore, #tpu.memory_space<semaphore_mem>>
    %dma_wait3A_311 = tpu.memref_squeeze %dma_wait3A_310 : memref<1x!tpu.dma_semaphore, #tpu.memory_space<semaphore_mem>> -> memref<!tpu.dma_semaphore, #tpu.memory_space<semaphore_mem>>
    tpu.wait_indirect_dma semaphore(%dma_wait3A_311 : memref<!tpu.dma_semaphore, #tpu.memory_space<semaphore_mem>>) src(%dma_wait3A_309 : memref<10000x128xf32, #tpu.memory_space<hbm>>) dst(%arg9 : memref<80x128xf32, #tpu.memory_space<vmem>>)
    %dma_wait3A_312 = arith.constant 1 : i32
    %dma_wait3A_313 = arith.constant 1 : i32
    %dma_wait3A_314 = arith.constant 0 : i32
    %dma_wait3A_315 = tpu.memref_slice %arg7[%dma_wait3A_312, %dma_wait3A_314] : memref<6x80xi32, #tpu.memory_space<vmem>> -> memref<1x80xi32, #tpu.memory_space<vmem>>
    %dma_wait3A_316 = tpu.memref_squeeze %dma_wait3A_315 : memref<1x80xi32, #tpu.memory_space<vmem>> -> memref<80xi32, #tpu.memory_space<vmem>>
    %dma_wait3A_317 = arith.constant 0 : i32
    %dma_wait3A_318 = tpu.memref_slice %arg4[%dma_wait3A_317] : memref<320000xi32, #tpu.memory_space<hbm>> -> memref<80xi32, #tpu.memory_space<hbm>>
    %dma_wait3A_319 = tpu.memref_slice %arg14[%dma_wait3A_313] : memref<6x!tpu.dma_semaphore, #tpu.memory_space<semaphore_mem>> -> memref<1x!tpu.dma_semaphore, #tpu.memory_space<semaphore_mem>>
    %dma_wait3A_320 = tpu.memref_squeeze %dma_wait3A_319 : memref<1x!tpu.dma_semaphore, #tpu.memory_space<semaphore_mem>> -> memref<!tpu.dma_semaphore, #tpu.memory_space<semaphore_mem>>
    %dma_wait3A_321 = arith.constant 0 : i32
    %dma_wait3A_322 = tpu.memref_slice %arg7[%dma_wait3A_312, %dma_wait3A_321] : memref<6x80xi32, #tpu.memory_space<vmem>> -> memref<1x80xi32, #tpu.memory_space<vmem>>
    %dma_wait3A_323 = tpu.memref_squeeze %dma_wait3A_322 : memref<1x80xi32, #tpu.memory_space<vmem>> -> memref<80xi32, #tpu.memory_space<vmem>>
    %dma_wait3A_324 = arith.constant 0 : i32
    %dma_wait3A_325 = tpu.memref_slice %arg4[%dma_wait3A_324] : memref<320000xi32, #tpu.memory_space<hbm>> -> memref<80xi32, #tpu.memory_space<hbm>>
    tpu.wait_dma2 semaphore(%dma_wait3A_320 : memref<!tpu.dma_semaphore, #tpu.memory_space<semaphore_mem>>) src(%dma_wait3A_325 : memref<80xi32, #tpu.memory_space<hbm>>) dst(%dma_wait3A_323 : memref<80xi32, #tpu.memory_space<vmem>>)
    %dma_start3A_326 = arith.constant 1 : i32
    %dma_start3A_327 = arith.constant 1 : i32
    %dma_start3A_328 = arith.constant 0 : i32
    %dma_start3A_329 = tpu.memref_slice %arg7[%dma_start3A_326, %dma_start3A_328] : memref<6x80xi32, #tpu.memory_space<vmem>> -> memref<1x80xi32, #tpu.memory_space<vmem>>
    %dma_start3A_330 = tpu.memref_squeeze %dma_start3A_329 : memref<1x80xi32, #tpu.memory_space<vmem>> -> memref<80xi32, #tpu.memory_space<vmem>>
    %dma_start3A_331 = arith.constant 0 : i32
    %dma_start3A_332 = arith.constant 0 : i32
    %dma_start3A_333 = tpu.memref_slice %arg11[%dma_start3A_331, %dma_start3A_332] : memref<10240x128xf32, #tpu.memory_space<vmem_shared>> -> memref<10240x128xf32, #tpu.memory_space<vmem_shared>>
    %dma_start3A_334 = tpu.memref_slice %arg13[%dma_start3A_327] : memref<3x!tpu.dma_semaphore, #tpu.memory_space<semaphore_mem>> -> memref<1x!tpu.dma_semaphore, #tpu.memory_space<semaphore_mem>>
    %dma_start3A_335 = tpu.memref_squeeze %dma_start3A_334 : memref<1x!tpu.dma_semaphore, #tpu.memory_space<semaphore_mem>> -> memref<!tpu.dma_semaphore, #tpu.memory_space<semaphore_mem>>
    tpu.enqueue_indirect_dma source(%arg9 : memref<80x128xf32, #tpu.memory_space<vmem>>) target(%dma_start3A_333 : memref<10240x128xf32, #tpu.memory_space<vmem_shared>>) offsets(%dma_start3A_330 : memref<80xi32, #tpu.memory_space<vmem>>) semaphore(%dma_start3A_335 : memref<!tpu.dma_semaphore, #tpu.memory_space<semaphore_mem>>) {add = true}
    %dma_wait3A_336 = arith.constant 0 : i32
    %dma_wait3A_337 = arith.constant 0 : i32
    %dma_wait3A_338 = arith.constant 0 : i32
    %dma_wait3A_339 = tpu.memref_slice %arg7[%dma_wait3A_336, %dma_wait3A_338] : memref<6x80xi32, #tpu.memory_space<vmem>> -> memref<1x80xi32, #tpu.memory_space<vmem>>
    %dma_wait3A_340 = tpu.memref_squeeze %dma_wait3A_339 : memref<1x80xi32, #tpu.memory_space<vmem>> -> memref<80xi32, #tpu.memory_space<vmem>>
    %dma_wait3A_341 = arith.constant 0 : i32
    %dma_wait3A_342 = arith.constant 0 : i32
    %dma_wait3A_343 = tpu.memref_slice %arg11[%dma_wait3A_341, %dma_wait3A_342] : memref<10240x128xf32, #tpu.memory_space<vmem_shared>> -> memref<10240x128xf32, #tpu.memory_space<vmem_shared>>
    %dma_wait3A_344 = tpu.memref_slice %arg13[%dma_wait3A_337] : memref<3x!tpu.dma_semaphore, #tpu.memory_space<semaphore_mem>> -> memref<1x!tpu.dma_semaphore, #tpu.memory_space<semaphore_mem>>
    %dma_wait3A_345 = tpu.memref_squeeze %dma_wait3A_344 : memref<1x!tpu.dma_semaphore, #tpu.memory_space<semaphore_mem>> -> memref<!tpu.dma_semaphore, #tpu.memory_space<semaphore_mem>>
    tpu.wait_indirect_dma semaphore(%dma_wait3A_345 : memref<!tpu.dma_semaphore, #tpu.memory_space<semaphore_mem>>) src(%arg8 : memref<80x128xf32, #tpu.memory_space<vmem>>) dst(%dma_wait3A_343 : memref<10240x128xf32, #tpu.memory_space<vmem_shared>>)
    %dma_start3A_346 = arith.constant 0 : i32
    %dma_start3A_347 = arith.constant 9840 : i32
    %dma_start3A_348 = tpu.memref_slice %arg6[%dma_start3A_347] : memref<10000xi32, #tpu.memory_space<vmem>> -> memref<80xi32, #tpu.memory_space<vmem>>
    %dma_start3A_349 = arith.constant 0 : i32
    %dma_start3A_350 = arith.constant 0 : i32
    %dma_start3A_351 = tpu.memref_slice %arg2[%dma_start3A_349, %dma_start3A_350] : memref<10000x128xf32, #tpu.memory_space<hbm>> -> memref<10000x128xf32, #tpu.memory_space<hbm>>
    %dma_start3A_352 = tpu.memref_slice %arg12[%dma_start3A_346] : memref<3x!tpu.dma_semaphore, #tpu.memory_space<semaphore_mem>> -> memref<1x!tpu.dma_semaphore, #tpu.memory_space<semaphore_mem>>
    %dma_start3A_353 = tpu.memref_squeeze %dma_start3A_352 : memref<1x!tpu.dma_semaphore, #tpu.memory_space<semaphore_mem>> -> memref<!tpu.dma_semaphore, #tpu.memory_space<semaphore_mem>>
    tpu.enqueue_indirect_dma source(%dma_start3A_351 : memref<10000x128xf32, #tpu.memory_space<hbm>>) target(%arg8 : memref<80x128xf32, #tpu.memory_space<vmem>>) offsets(%dma_start3A_348 : memref<80xi32, #tpu.memory_space<vmem>>) semaphore(%dma_start3A_353 : memref<!tpu.dma_semaphore, #tpu.memory_space<semaphore_mem>>)
    %dma_wait3A_354 = arith.constant 2 : i32
    %dma_wait3A_355 = arith.constant 0 : i32
    %dma_wait3A_356 = tpu.memref_slice %arg6[%dma_wait3A_355] : memref<10000xi32, #tpu.memory_space<vmem>> -> memref<80xi32, #tpu.memory_space<vmem>>
    %dma_wait3A_357 = arith.constant 0 : i32
    %dma_wait3A_358 = arith.constant 0 : i32
    %dma_wait3A_359 = tpu.memref_slice %arg2[%dma_wait3A_357, %dma_wait3A_358] : memref<10000x128xf32, #tpu.memory_space<hbm>> -> memref<10000x128xf32, #tpu.memory_space<hbm>>
    %dma_wait3A_360 = tpu.memref_slice %arg12[%dma_wait3A_354] : memref<3x!tpu.dma_semaphore, #tpu.memory_space<semaphore_mem>> -> memref<1x!tpu.dma_semaphore, #tpu.memory_space<semaphore_mem>>
    %dma_wait3A_361 = tpu.memref_squeeze %dma_wait3A_360 : memref<1x!tpu.dma_semaphore, #tpu.memory_space<semaphore_mem>> -> memref<!tpu.dma_semaphore, #tpu.memory_space<semaphore_mem>>
    tpu.wait_indirect_dma semaphore(%dma_wait3A_361 : memref<!tpu.dma_semaphore, #tpu.memory_space<semaphore_mem>>) src(%dma_wait3A_359 : memref<10000x128xf32, #tpu.memory_space<hbm>>) dst(%arg10 : memref<80x128xf32, #tpu.memory_space<vmem>>)
    %dma_wait3A_362 = arith.constant 2 : i32
    %dma_wait3A_363 = arith.constant 2 : i32
    %dma_wait3A_364 = arith.constant 0 : i32
    %dma_wait3A_365 = tpu.memref_slice %arg7[%dma_wait3A_362, %dma_wait3A_364] : memref<6x80xi32, #tpu.memory_space<vmem>> -> memref<1x80xi32, #tpu.memory_space<vmem>>
    %dma_wait3A_366 = tpu.memref_squeeze %dma_wait3A_365 : memref<1x80xi32, #tpu.memory_space<vmem>> -> memref<80xi32, #tpu.memory_space<vmem>>
    %dma_wait3A_367 = arith.constant 0 : i32
    %dma_wait3A_368 = tpu.memref_slice %arg4[%dma_wait3A_367] : memref<320000xi32, #tpu.memory_space<hbm>> -> memref<80xi32, #tpu.memory_space<hbm>>
    %dma_wait3A_369 = tpu.memref_slice %arg14[%dma_wait3A_363] : memref<6x!tpu.dma_semaphore, #tpu.memory_space<semaphore_mem>> -> memref<1x!tpu.dma_semaphore, #tpu.memory_space<semaphore_mem>>
    %dma_wait3A_370 = tpu.memref_squeeze %dma_wait3A_369 : memref<1x!tpu.dma_semaphore, #tpu.memory_space<semaphore_mem>> -> memref<!tpu.dma_semaphore, #tpu.memory_space<semaphore_mem>>
    %dma_wait3A_371 = arith.constant 0 : i32
    %dma_wait3A_372 = tpu.memref_slice %arg7[%dma_wait3A_362, %dma_wait3A_371] : memref<6x80xi32, #tpu.memory_space<vmem>> -> memref<1x80xi32, #tpu.memory_space<vmem>>
    %dma_wait3A_373 = tpu.memref_squeeze %dma_wait3A_372 : memref<1x80xi32, #tpu.memory_space<vmem>> -> memref<80xi32, #tpu.memory_space<vmem>>
    %dma_wait3A_374 = arith.constant 0 : i32
    %dma_wait3A_375 = tpu.memref_slice %arg4[%dma_wait3A_374] : memref<320000xi32, #tpu.memory_space<hbm>> -> memref<80xi32, #tpu.memory_space<hbm>>
    tpu.wait_dma2 semaphore(%dma_wait3A_370 : memref<!tpu.dma_semaphore, #tpu.memory_space<semaphore_mem>>) src(%dma_wait3A_375 : memref<80xi32, #tpu.memory_space<hbm>>) dst(%dma_wait3A_373 : memref<80xi32, #tpu.memory_space<vmem>>)
    %dma_start3A_376 = arith.constant 2 : i32
    %dma_start3A_377 = arith.constant 2 : i32
    %dma_start3A_378 = arith.constant 0 : i32
    %dma_start3A_379 = tpu.memref_slice %arg7[%dma_start3A_376, %dma_start3A_378] : memref<6x80xi32, #tpu.memory_space<vmem>> -> memref<1x80xi32, #tpu.memory_space<vmem>>
    %dma_start3A_380 = tpu.memref_squeeze %dma_start3A_379 : memref<1x80xi32, #tpu.memory_space<vmem>> -> memref<80xi32, #tpu.memory_space<vmem>>
    %dma_start3A_381 = arith.constant 0 : i32
    %dma_start3A_382 = arith.constant 0 : i32
    %dma_start3A_383 = tpu.memref_slice %arg11[%dma_start3A_381, %dma_start3A_382] : memref<10240x128xf32, #tpu.memory_space<vmem_shared>> -> memref<10240x128xf32, #tpu.memory_space<vmem_shared>>
    %dma_start3A_384 = tpu.memref_slice %arg13[%dma_start3A_377] : memref<3x!tpu.dma_semaphore, #tpu.memory_space<semaphore_mem>> -> memref<1x!tpu.dma_semaphore, #tpu.memory_space<semaphore_mem>>
    %dma_start3A_385 = tpu.memref_squeeze %dma_start3A_384 : memref<1x!tpu.dma_semaphore, #tpu.memory_space<semaphore_mem>> -> memref<!tpu.dma_semaphore, #tpu.memory_space<semaphore_mem>>
    tpu.enqueue_indirect_dma source(%arg10 : memref<80x128xf32, #tpu.memory_space<vmem>>) target(%dma_start3A_383 : memref<10240x128xf32, #tpu.memory_space<vmem_shared>>) offsets(%dma_start3A_380 : memref<80xi32, #tpu.memory_space<vmem>>) semaphore(%dma_start3A_385 : memref<!tpu.dma_semaphore, #tpu.memory_space<semaphore_mem>>) {add = true}
    %dma_wait3A_386 = arith.constant 0 : i32
    %dma_wait3A_387 = arith.constant 1 : i32
    %dma_wait3A_388 = arith.constant 0 : i32
    %dma_wait3A_389 = tpu.memref_slice %arg7[%dma_wait3A_386, %dma_wait3A_388] : memref<6x80xi32, #tpu.memory_space<vmem>> -> memref<1x80xi32, #tpu.memory_space<vmem>>
    %dma_wait3A_390 = tpu.memref_squeeze %dma_wait3A_389 : memref<1x80xi32, #tpu.memory_space<vmem>> -> memref<80xi32, #tpu.memory_space<vmem>>
    %dma_wait3A_391 = arith.constant 0 : i32
    %dma_wait3A_392 = arith.constant 0 : i32
    %dma_wait3A_393 = tpu.memref_slice %arg11[%dma_wait3A_391, %dma_wait3A_392] : memref<10240x128xf32, #tpu.memory_space<vmem_shared>> -> memref<10240x128xf32, #tpu.memory_space<vmem_shared>>
    %dma_wait3A_394 = tpu.memref_slice %arg13[%dma_wait3A_387] : memref<3x!tpu.dma_semaphore, #tpu.memory_space<semaphore_mem>> -> memref<1x!tpu.dma_semaphore, #tpu.memory_space<semaphore_mem>>
    %dma_wait3A_395 = tpu.memref_squeeze %dma_wait3A_394 : memref<1x!tpu.dma_semaphore, #tpu.memory_space<semaphore_mem>> -> memref<!tpu.dma_semaphore, #tpu.memory_space<semaphore_mem>>
    tpu.wait_indirect_dma semaphore(%dma_wait3A_395 : memref<!tpu.dma_semaphore, #tpu.memory_space<semaphore_mem>>) src(%arg9 : memref<80x128xf32, #tpu.memory_space<vmem>>) dst(%dma_wait3A_393 : memref<10240x128xf32, #tpu.memory_space<vmem_shared>>)
    %dma_start3A_396 = arith.constant 1 : i32
    %dma_start3A_397 = arith.constant 9920 : i32
    %dma_start3A_398 = tpu.memref_slice %arg6[%dma_start3A_397] : memref<10000xi32, #tpu.memory_space<vmem>> -> memref<80xi32, #tpu.memory_space<vmem>>
    %dma_start3A_399 = arith.constant 0 : i32
    %dma_start3A_400 = arith.constant 0 : i32
    %dma_start3A_401 = tpu.memref_slice %arg2[%dma_start3A_399, %dma_start3A_400] : memref<10000x128xf32, #tpu.memory_space<hbm>> -> memref<10000x128xf32, #tpu.memory_space<hbm>>
    %dma_start3A_402 = tpu.memref_slice %arg12[%dma_start3A_396] : memref<3x!tpu.dma_semaphore, #tpu.memory_space<semaphore_mem>> -> memref<1x!tpu.dma_semaphore, #tpu.memory_space<semaphore_mem>>
    %dma_start3A_403 = tpu.memref_squeeze %dma_start3A_402 : memref<1x!tpu.dma_semaphore, #tpu.memory_space<semaphore_mem>> -> memref<!tpu.dma_semaphore, #tpu.memory_space<semaphore_mem>>
    tpu.enqueue_indirect_dma source(%dma_start3A_401 : memref<10000x128xf32, #tpu.memory_space<hbm>>) target(%arg9 : memref<80x128xf32, #tpu.memory_space<vmem>>) offsets(%dma_start3A_398 : memref<80xi32, #tpu.memory_space<vmem>>) semaphore(%dma_start3A_403 : memref<!tpu.dma_semaphore, #tpu.memory_space<semaphore_mem>>)
    %dma_wait3A_404 = arith.constant 0 : i32
    %dma_wait3A_405 = arith.constant 0 : i32
    %dma_wait3A_406 = tpu.memref_slice %arg6[%dma_wait3A_405] : memref<10000xi32, #tpu.memory_space<vmem>> -> memref<80xi32, #tpu.memory_space<vmem>>
    %dma_wait3A_407 = arith.constant 0 : i32
    %dma_wait3A_408 = arith.constant 0 : i32
    %dma_wait3A_409 = tpu.memref_slice %arg2[%dma_wait3A_407, %dma_wait3A_408] : memref<10000x128xf32, #tpu.memory_space<hbm>> -> memref<10000x128xf32, #tpu.memory_space<hbm>>
    %dma_wait3A_410 = tpu.memref_slice %arg12[%dma_wait3A_404] : memref<3x!tpu.dma_semaphore, #tpu.memory_space<semaphore_mem>> -> memref<1x!tpu.dma_semaphore, #tpu.memory_space<semaphore_mem>>
    %dma_wait3A_411 = tpu.memref_squeeze %dma_wait3A_410 : memref<1x!tpu.dma_semaphore, #tpu.memory_space<semaphore_mem>> -> memref<!tpu.dma_semaphore, #tpu.memory_space<semaphore_mem>>
    tpu.wait_indirect_dma semaphore(%dma_wait3A_411 : memref<!tpu.dma_semaphore, #tpu.memory_space<semaphore_mem>>) src(%dma_wait3A_409 : memref<10000x128xf32, #tpu.memory_space<hbm>>) dst(%arg8 : memref<80x128xf32, #tpu.memory_space<vmem>>)
    %dma_wait3A_412 = arith.constant 3 : i32
    %dma_wait3A_413 = arith.constant 3 : i32
    %dma_wait3A_414 = arith.constant 0 : i32
    %dma_wait3A_415 = tpu.memref_slice %arg7[%dma_wait3A_412, %dma_wait3A_414] : memref<6x80xi32, #tpu.memory_space<vmem>> -> memref<1x80xi32, #tpu.memory_space<vmem>>
    %dma_wait3A_416 = tpu.memref_squeeze %dma_wait3A_415 : memref<1x80xi32, #tpu.memory_space<vmem>> -> memref<80xi32, #tpu.memory_space<vmem>>
    %dma_wait3A_417 = arith.constant 0 : i32
    %dma_wait3A_418 = tpu.memref_slice %arg4[%dma_wait3A_417] : memref<320000xi32, #tpu.memory_space<hbm>> -> memref<80xi32, #tpu.memory_space<hbm>>
    %dma_wait3A_419 = tpu.memref_slice %arg14[%dma_wait3A_413] : memref<6x!tpu.dma_semaphore, #tpu.memory_space<semaphore_mem>> -> memref<1x!tpu.dma_semaphore, #tpu.memory_space<semaphore_mem>>
    %dma_wait3A_420 = tpu.memref_squeeze %dma_wait3A_419 : memref<1x!tpu.dma_semaphore, #tpu.memory_space<semaphore_mem>> -> memref<!tpu.dma_semaphore, #tpu.memory_space<semaphore_mem>>
    %dma_wait3A_421 = arith.constant 0 : i32
    %dma_wait3A_422 = tpu.memref_slice %arg7[%dma_wait3A_412, %dma_wait3A_421] : memref<6x80xi32, #tpu.memory_space<vmem>> -> memref<1x80xi32, #tpu.memory_space<vmem>>
    %dma_wait3A_423 = tpu.memref_squeeze %dma_wait3A_422 : memref<1x80xi32, #tpu.memory_space<vmem>> -> memref<80xi32, #tpu.memory_space<vmem>>
    %dma_wait3A_424 = arith.constant 0 : i32
    %dma_wait3A_425 = tpu.memref_slice %arg4[%dma_wait3A_424] : memref<320000xi32, #tpu.memory_space<hbm>> -> memref<80xi32, #tpu.memory_space<hbm>>
    tpu.wait_dma2 semaphore(%dma_wait3A_420 : memref<!tpu.dma_semaphore, #tpu.memory_space<semaphore_mem>>) src(%dma_wait3A_425 : memref<80xi32, #tpu.memory_space<hbm>>) dst(%dma_wait3A_423 : memref<80xi32, #tpu.memory_space<vmem>>)
    %dma_start3A_426 = arith.constant 3 : i32
    %dma_start3A_427 = arith.constant 0 : i32
    %dma_start3A_428 = arith.constant 0 : i32
    %dma_start3A_429 = tpu.memref_slice %arg7[%dma_start3A_426, %dma_start3A_428] : memref<6x80xi32, #tpu.memory_space<vmem>> -> memref<1x80xi32, #tpu.memory_space<vmem>>
    %dma_start3A_430 = tpu.memref_squeeze %dma_start3A_429 : memref<1x80xi32, #tpu.memory_space<vmem>> -> memref<80xi32, #tpu.memory_space<vmem>>
    %dma_start3A_431 = arith.constant 0 : i32
    %dma_start3A_432 = arith.constant 0 : i32
    %dma_start3A_433 = tpu.memref_slice %arg11[%dma_start3A_431, %dma_start3A_432] : memref<10240x128xf32, #tpu.memory_space<vmem_shared>> -> memref<10240x128xf32, #tpu.memory_space<vmem_shared>>
    %dma_start3A_434 = tpu.memref_slice %arg13[%dma_start3A_427] : memref<3x!tpu.dma_semaphore, #tpu.memory_space<semaphore_mem>> -> memref<1x!tpu.dma_semaphore, #tpu.memory_space<semaphore_mem>>
    %dma_start3A_435 = tpu.memref_squeeze %dma_start3A_434 : memref<1x!tpu.dma_semaphore, #tpu.memory_space<semaphore_mem>> -> memref<!tpu.dma_semaphore, #tpu.memory_space<semaphore_mem>>
    tpu.enqueue_indirect_dma source(%arg8 : memref<80x128xf32, #tpu.memory_space<vmem>>) target(%dma_start3A_433 : memref<10240x128xf32, #tpu.memory_space<vmem_shared>>) offsets(%dma_start3A_430 : memref<80xi32, #tpu.memory_space<vmem>>) semaphore(%dma_start3A_435 : memref<!tpu.dma_semaphore, #tpu.memory_space<semaphore_mem>>) {add = true}
    %dma_wait3A_436 = arith.constant 0 : i32
    %dma_wait3A_437 = arith.constant 2 : i32
    %dma_wait3A_438 = arith.constant 0 : i32
    %dma_wait3A_439 = tpu.memref_slice %arg7[%dma_wait3A_436, %dma_wait3A_438] : memref<6x80xi32, #tpu.memory_space<vmem>> -> memref<1x80xi32, #tpu.memory_space<vmem>>
    %dma_wait3A_440 = tpu.memref_squeeze %dma_wait3A_439 : memref<1x80xi32, #tpu.memory_space<vmem>> -> memref<80xi32, #tpu.memory_space<vmem>>
    %dma_wait3A_441 = arith.constant 0 : i32
    %dma_wait3A_442 = arith.constant 0 : i32
    %dma_wait3A_443 = tpu.memref_slice %arg11[%dma_wait3A_441, %dma_wait3A_442] : memref<10240x128xf32, #tpu.memory_space<vmem_shared>> -> memref<10240x128xf32, #tpu.memory_space<vmem_shared>>
    %dma_wait3A_444 = tpu.memref_slice %arg13[%dma_wait3A_437] : memref<3x!tpu.dma_semaphore, #tpu.memory_space<semaphore_mem>> -> memref<1x!tpu.dma_semaphore, #tpu.memory_space<semaphore_mem>>
    %dma_wait3A_445 = tpu.memref_squeeze %dma_wait3A_444 : memref<1x!tpu.dma_semaphore, #tpu.memory_space<semaphore_mem>> -> memref<!tpu.dma_semaphore, #tpu.memory_space<semaphore_mem>>
    tpu.wait_indirect_dma semaphore(%dma_wait3A_445 : memref<!tpu.dma_semaphore, #tpu.memory_space<semaphore_mem>>) src(%arg10 : memref<80x128xf32, #tpu.memory_space<vmem>>) dst(%dma_wait3A_443 : memref<10240x128xf32, #tpu.memory_space<vmem_shared>>)
    %dma_wait3A_446 = arith.constant 1 : i32
    %dma_wait3A_447 = arith.constant 0 : i32
    %dma_wait3A_448 = tpu.memref_slice %arg6[%dma_wait3A_447] : memref<10000xi32, #tpu.memory_space<vmem>> -> memref<80xi32, #tpu.memory_space<vmem>>
    %dma_wait3A_449 = arith.constant 0 : i32
    %dma_wait3A_450 = arith.constant 0 : i32
    %dma_wait3A_451 = tpu.memref_slice %arg2[%dma_wait3A_449, %dma_wait3A_450] : memref<10000x128xf32, #tpu.memory_space<hbm>> -> memref<10000x128xf32, #tpu.memory_space<hbm>>
    %dma_wait3A_452 = tpu.memref_slice %arg12[%dma_wait3A_446] : memref<3x!tpu.dma_semaphore, #tpu.memory_space<semaphore_mem>> -> memref<1x!tpu.dma_semaphore, #tpu.memory_space<semaphore_mem>>
    %dma_wait3A_453 = tpu.memref_squeeze %dma_wait3A_452 : memref<1x!tpu.dma_semaphore, #tpu.memory_space<semaphore_mem>> -> memref<!tpu.dma_semaphore, #tpu.memory_space<semaphore_mem>>
    tpu.wait_indirect_dma semaphore(%dma_wait3A_453 : memref<!tpu.dma_semaphore, #tpu.memory_space<semaphore_mem>>) src(%dma_wait3A_451 : memref<10000x128xf32, #tpu.memory_space<hbm>>) dst(%arg9 : memref<80x128xf32, #tpu.memory_space<vmem>>)
    %dma_wait3A_454 = arith.constant 4 : i32
    %dma_wait3A_455 = arith.constant 4 : i32
    %dma_wait3A_456 = arith.constant 0 : i32
    %dma_wait3A_457 = tpu.memref_slice %arg7[%dma_wait3A_454, %dma_wait3A_456] : memref<6x80xi32, #tpu.memory_space<vmem>> -> memref<1x80xi32, #tpu.memory_space<vmem>>
    %dma_wait3A_458 = tpu.memref_squeeze %dma_wait3A_457 : memref<1x80xi32, #tpu.memory_space<vmem>> -> memref<80xi32, #tpu.memory_space<vmem>>
    %dma_wait3A_459 = arith.constant 0 : i32
    %dma_wait3A_460 = tpu.memref_slice %arg4[%dma_wait3A_459] : memref<320000xi32, #tpu.memory_space<hbm>> -> memref<80xi32, #tpu.memory_space<hbm>>
    %dma_wait3A_461 = tpu.memref_slice %arg14[%dma_wait3A_455] : memref<6x!tpu.dma_semaphore, #tpu.memory_space<semaphore_mem>> -> memref<1x!tpu.dma_semaphore, #tpu.memory_space<semaphore_mem>>
    %dma_wait3A_462 = tpu.memref_squeeze %dma_wait3A_461 : memref<1x!tpu.dma_semaphore, #tpu.memory_space<semaphore_mem>> -> memref<!tpu.dma_semaphore, #tpu.memory_space<semaphore_mem>>
    %dma_wait3A_463 = arith.constant 0 : i32
    %dma_wait3A_464 = tpu.memref_slice %arg7[%dma_wait3A_454, %dma_wait3A_463] : memref<6x80xi32, #tpu.memory_space<vmem>> -> memref<1x80xi32, #tpu.memory_space<vmem>>
    %dma_wait3A_465 = tpu.memref_squeeze %dma_wait3A_464 : memref<1x80xi32, #tpu.memory_space<vmem>> -> memref<80xi32, #tpu.memory_space<vmem>>
    %dma_wait3A_466 = arith.constant 0 : i32
    %dma_wait3A_467 = tpu.memref_slice %arg4[%dma_wait3A_466] : memref<320000xi32, #tpu.memory_space<hbm>> -> memref<80xi32, #tpu.memory_space<hbm>>
    tpu.wait_dma2 semaphore(%dma_wait3A_462 : memref<!tpu.dma_semaphore, #tpu.memory_space<semaphore_mem>>) src(%dma_wait3A_467 : memref<80xi32, #tpu.memory_space<hbm>>) dst(%dma_wait3A_465 : memref<80xi32, #tpu.memory_space<vmem>>)
    %dma_start3A_468 = arith.constant 4 : i32
    %dma_start3A_469 = arith.constant 1 : i32
    %dma_start3A_470 = arith.constant 0 : i32
    %dma_start3A_471 = tpu.memref_slice %arg7[%dma_start3A_468, %dma_start3A_470] : memref<6x80xi32, #tpu.memory_space<vmem>> -> memref<1x80xi32, #tpu.memory_space<vmem>>
    %dma_start3A_472 = tpu.memref_squeeze %dma_start3A_471 : memref<1x80xi32, #tpu.memory_space<vmem>> -> memref<80xi32, #tpu.memory_space<vmem>>
    %dma_start3A_473 = arith.constant 0 : i32
    %dma_start3A_474 = arith.constant 0 : i32
    %dma_start3A_475 = tpu.memref_slice %arg11[%dma_start3A_473, %dma_start3A_474] : memref<10240x128xf32, #tpu.memory_space<vmem_shared>> -> memref<10240x128xf32, #tpu.memory_space<vmem_shared>>
    %dma_start3A_476 = tpu.memref_slice %arg13[%dma_start3A_469] : memref<3x!tpu.dma_semaphore, #tpu.memory_space<semaphore_mem>> -> memref<1x!tpu.dma_semaphore, #tpu.memory_space<semaphore_mem>>
    %dma_start3A_477 = tpu.memref_squeeze %dma_start3A_476 : memref<1x!tpu.dma_semaphore, #tpu.memory_space<semaphore_mem>> -> memref<!tpu.dma_semaphore, #tpu.memory_space<semaphore_mem>>
    tpu.enqueue_indirect_dma source(%arg9 : memref<80x128xf32, #tpu.memory_space<vmem>>) target(%dma_start3A_475 : memref<10240x128xf32, #tpu.memory_space<vmem_shared>>) offsets(%dma_start3A_472 : memref<80xi32, #tpu.memory_space<vmem>>) semaphore(%dma_start3A_477 : memref<!tpu.dma_semaphore, #tpu.memory_space<semaphore_mem>>) {add = true}
    %dma_wait3A_478 = arith.constant 0 : i32
    %dma_wait3A_479 = arith.constant 0 : i32
    %dma_wait3A_480 = arith.constant 0 : i32
    %dma_wait3A_481 = tpu.memref_slice %arg7[%dma_wait3A_478, %dma_wait3A_480] : memref<6x80xi32, #tpu.memory_space<vmem>> -> memref<1x80xi32, #tpu.memory_space<vmem>>
    %dma_wait3A_482 = tpu.memref_squeeze %dma_wait3A_481 : memref<1x80xi32, #tpu.memory_space<vmem>> -> memref<80xi32, #tpu.memory_space<vmem>>
    %dma_wait3A_483 = arith.constant 0 : i32
    %dma_wait3A_484 = arith.constant 0 : i32
    %dma_wait3A_485 = tpu.memref_slice %arg11[%dma_wait3A_483, %dma_wait3A_484] : memref<10240x128xf32, #tpu.memory_space<vmem_shared>> -> memref<10240x128xf32, #tpu.memory_space<vmem_shared>>
    %dma_wait3A_486 = tpu.memref_slice %arg13[%dma_wait3A_479] : memref<3x!tpu.dma_semaphore, #tpu.memory_space<semaphore_mem>> -> memref<1x!tpu.dma_semaphore, #tpu.memory_space<semaphore_mem>>
    %dma_wait3A_487 = tpu.memref_squeeze %dma_wait3A_486 : memref<1x!tpu.dma_semaphore, #tpu.memory_space<semaphore_mem>> -> memref<!tpu.dma_semaphore, #tpu.memory_space<semaphore_mem>>
    tpu.wait_indirect_dma semaphore(%dma_wait3A_487 : memref<!tpu.dma_semaphore, #tpu.memory_space<semaphore_mem>>) src(%arg8 : memref<80x128xf32, #tpu.memory_space<vmem>>) dst(%dma_wait3A_485 : memref<10240x128xf32, #tpu.memory_space<vmem_shared>>)
    %dma_wait3A_488 = arith.constant 0 : i32
    %dma_wait3A_489 = arith.constant 1 : i32
    %dma_wait3A_490 = arith.constant 0 : i32
    %dma_wait3A_491 = tpu.memref_slice %arg7[%dma_wait3A_488, %dma_wait3A_490] : memref<6x80xi32, #tpu.memory_space<vmem>> -> memref<1x80xi32, #tpu.memory_space<vmem>>
    %dma_wait3A_492 = tpu.memref_squeeze %dma_wait3A_491 : memref<1x80xi32, #tpu.memory_space<vmem>> -> memref<80xi32, #tpu.memory_space<vmem>>
    %dma_wait3A_493 = arith.constant 0 : i32
    %dma_wait3A_494 = arith.constant 0 : i32
    %dma_wait3A_495 = tpu.memref_slice %arg11[%dma_wait3A_493, %dma_wait3A_494] : memref<10240x128xf32, #tpu.memory_space<vmem_shared>> -> memref<10240x128xf32, #tpu.memory_space<vmem_shared>>
    %dma_wait3A_496 = tpu.memref_slice %arg13[%dma_wait3A_489] : memref<3x!tpu.dma_semaphore, #tpu.memory_space<semaphore_mem>> -> memref<1x!tpu.dma_semaphore, #tpu.memory_space<semaphore_mem>>
    %dma_wait3A_497 = tpu.memref_squeeze %dma_wait3A_496 : memref<1x!tpu.dma_semaphore, #tpu.memory_space<semaphore_mem>> -> memref<!tpu.dma_semaphore, #tpu.memory_space<semaphore_mem>>
    tpu.wait_indirect_dma semaphore(%dma_wait3A_497 : memref<!tpu.dma_semaphore, #tpu.memory_space<semaphore_mem>>) src(%arg9 : memref<80x128xf32, #tpu.memory_space<vmem>>) dst(%dma_wait3A_495 : memref<10240x128xf32, #tpu.memory_space<vmem_shared>>)
    %barrier3A_498 = arith.constant 0 : index
    tpu.barrier barrier_id(%barrier3A_498)
    "tpu.region"() ({
      %run_scoped3A = tpu.sem_alloc : memref<!tpu.dma_semaphore, #tpu.memory_space<semaphore_mem>>
      %dma_start3A_499 = arith.constant 0 : i32
      %dma_start3A_500 = tpu.memref_slice %arg5[%arg0, %mul3A_85, %dma_start3A_499] : memref<2x10240x128xf32, #tpu.memory_space<hbm>> -> memref<1x640x128xf32, #tpu.memory_space<hbm>>
      %dma_start3A_501 = tpu.memref_squeeze %dma_start3A_500 : memref<1x640x128xf32, #tpu.memory_space<hbm>> -> memref<640x128xf32, #tpu.memory_space<hbm>>
      %dma_start3A_502 = arith.constant 0 : i32
      %dma_start3A_503 = tpu.memref_slice %arg11[%mul3A_85, %dma_start3A_502] : memref<10240x128xf32, #tpu.memory_space<vmem_shared>> -> memref<640x128xf32, #tpu.memory_space<vmem_shared>>
      tpu.enqueue_dma source(%dma_start3A_503 : memref<640x128xf32, #tpu.memory_space<vmem_shared>>) target(%dma_start3A_501 : memref<640x128xf32, #tpu.memory_space<hbm>>) target_semaphore(%run_scoped3A : memref<!tpu.dma_semaphore, #tpu.memory_space<semaphore_mem>>)
      %dma_wait3A_504 = arith.constant 0 : i32
      %dma_wait3A_505 = tpu.memref_slice %arg5[%arg0, %mul3A_85, %dma_wait3A_504] : memref<2x10240x128xf32, #tpu.memory_space<hbm>> -> memref<1x640x128xf32, #tpu.memory_space<hbm>>
      %dma_wait3A_506 = tpu.memref_squeeze %dma_wait3A_505 : memref<1x640x128xf32, #tpu.memory_space<hbm>> -> memref<640x128xf32, #tpu.memory_space<hbm>>
      %dma_wait3A_507 = arith.constant 0 : i32
      %dma_wait3A_508 = tpu.memref_slice %arg11[%mul3A_85, %dma_wait3A_507] : memref<10240x128xf32, #tpu.memory_space<vmem_shared>> -> memref<640x128xf32, #tpu.memory_space<vmem_shared>>
      tpu.wait_dma2 semaphore(%run_scoped3A : memref<!tpu.dma_semaphore, #tpu.memory_space<semaphore_mem>>) src(%dma_wait3A_508 : memref<640x128xf32, #tpu.memory_space<vmem_shared>>) dst(%dma_wait3A_506 : memref<640x128xf32, #tpu.memory_space<hbm>>)
      tpu.yield
    }) : () -> ()
    return
  }
}

module attributes {stable_mosaic.version = 14 : i64} {
  func.func @body(%arg0: i32, %arg1: memref<1x2000x128xf32, #tpu.memory_space<vmem>>, %arg2: memref<1x2000x128xf32, #tpu.memory_space<vmem>>, %arg3: memref<128x128xf32, #tpu.memory_space<vmem>>, %arg4: memref<1x128xf32, #tpu.memory_space<vmem>>, %arg5: memref<2000x128xf32, #tpu.memory_space<vmem>>) attributes {dimension_semantics = [#tpu.dimension_semantics<arbitrary>], iteration_bounds = array<i64: 5>, scalar_prefetch = 0 : i64, scratch_operands = 0 : i64, tpu.core_type = #tpu.core_type<tc>, window_params = [{transform_indices = @transform_0, window_bounds = array<i64: 1, 2000, 128>}, {transform_indices = @transform_1, window_bounds = array<i64: 1, 2000, 128>}, {pipeline_mode = #tpu.pipeline_mode<synchronous>, transform_indices = @transform_2, window_bounds = array<i64: 128, 128>}, {pipeline_mode = #tpu.pipeline_mode<synchronous>, transform_indices = @transform_3, window_bounds = array<i64: 1, 128>}, {transform_indices = @transform_4, window_bounds = array<i64: 2000, 128>}]} {
    %get3A = arith.constant 0 : index
    %get3A_0 = arith.constant 0 : index
    %get3A_1 = arith.constant 0 : index
    %get3A_2 = vector.load %arg1[%get3A, %get3A_0, %get3A_1] : memref<1x2000x128xf32, #tpu.memory_space<vmem>>, vector<1x2000x128xf32>
    %get3A_3 = vector.shape_cast %get3A_2 : vector<1x2000x128xf32> to vector<2000x128xf32>
    %get3A_4 = arith.constant 0 : index
    %get3A_5 = arith.constant 0 : index
    %get3A_6 = arith.constant 0 : index
    %get3A_7 = vector.load %arg2[%get3A_4, %get3A_5, %get3A_6] : memref<1x2000x128xf32, #tpu.memory_space<vmem>>, vector<1x2000x128xf32>
    %get3A_8 = vector.shape_cast %get3A_7 : vector<1x2000x128xf32> to vector<2000x128xf32>
    %add3A = arith.addf %get3A_3, %get3A_8 : vector<2000x128xf32>
    %get3A_9 = arith.constant 0 : index
    %get3A_10 = arith.constant 0 : index
    %get3A_11 = vector.load %arg3[%get3A_9, %get3A_10] : memref<128x128xf32, #tpu.memory_space<vmem>>, vector<128x128xf32>
    %dot_general3A = arith.constant dense<0.000000e+00> : vector<2000x128xf32>
    %dot_general3A_12 = tpu.matmul %add3A, %get3A_11, %dot_general3A {dimension_numbers = #tpu.dot_dimension_numbers<[1], [1], [0], [0], [0, 0, 1, 0], [], []>, transpose_lhs_hint = false} : vector<2000x128xf32>, vector<128x128xf32>, vector<2000x128xf32> -> vector<2000x128xf32>
    %get3A_13 = arith.constant 0 : index
    %get3A_14 = arith.constant 0 : index
    %get3A_15 = vector.load %arg4[%get3A_13, %get3A_14] : memref<1x128xf32, #tpu.memory_space<vmem>>, vector<1x128xf32>
    %add3A_16 = vector.broadcast %get3A_15 : vector<1x128xf32> to vector<2000x128xf32>
    %add3A_17 = arith.addf %dot_general3A_12, %add3A_16 : vector<2000x128xf32>
    %swap3A = arith.constant 0 : index
    %swap3A_18 = arith.constant 0 : index
    %swap3A_19 = vector.load %arg5[%swap3A, %swap3A_18] : memref<2000x128xf32, #tpu.memory_space<vmem>>, vector<2000x128xf32>
    tpu.vector_store %arg5[%swap3A, %swap3A_18], %add3A_17 {strides = array<i32>} : memref<2000x128xf32, #tpu.memory_space<vmem>>, vector<2000x128xf32>,
    return
  }
  func.func @transform_0(%arg0: i32) -> (i32, i32, i32) {
    %c0_i32 = arith.constant 0 : i32
    %c0_i32_0 = arith.constant 0 : i32
    %c0_i32_1 = arith.constant 0 : i32
    return %c0_i32, %arg0, %c0_i32_0 : i32, i32, i32
  }
  func.func @transform_1(%arg0: i32) -> (i32, i32, i32) {
    %c1_i32 = arith.constant 1 : i32
    %c0_i32 = arith.constant 0 : i32
    %c0_i32_0 = arith.constant 0 : i32
    return %c1_i32, %arg0, %c0_i32 : i32, i32, i32
  }
  func.func @transform_2(%arg0: i32) -> (i32, i32) {
    %c0_i32 = arith.constant 0 : i32
    %c0_i32_0 = arith.constant 0 : i32
    %c0_i32_1 = arith.constant 0 : i32
    return %c0_i32, %c0_i32_0 : i32, i32
  }
  func.func @transform_3(%arg0: i32) -> (i32, i32) {
    %c0_i32 = arith.constant 0 : i32
    %c0_i32_0 = arith.constant 0 : i32
    %c0_i32_1 = arith.constant 0 : i32
    return %c0_i32, %c0_i32_0 : i32, i32
  }
  func.func @transform_4(%arg0: i32) -> (i32, i32) {
    %c0_i32 = arith.constant 0 : i32
    %c0_i32_0 = arith.constant 0 : i32
    return %arg0, %c0_i32 : i32, i32
  }
}

</mosaic_0001>

<sc_bundles>
// kernel: kernel.4.cloned.1.call-start
scs
__scs_entry_jumppad:
0x0: {  	(pc) =	sbr.rel $0x88, $3  }
0x1: {  	(tag) =	ssettag $0x0;
	lr =	simm.s32 $0x1  }
0x2: {  	[smem:$0x3F9D] =	sst lr;
	_ =	strace $0xD0000000  }
0x3: {  	_ = 	snop  }
0x4: {  	_ = 	snop  }
0x5: {  	_ = 	snop  }
0x6: {  	_ = 	snop  }
0x7: {  	_ = 	snop  }
__scs_overlays_trampoline_lowered:
0x8: {  	[smem:$0x3FAC] =	sst s0  }
0x9: {  	[smem:$0x3FAD] =	sst s1  }
0xa: {  	[smem:$0x3FAE] =	sst s2  }
0xb: {  	[smem:$0x3FAF] =	sst s3  }
0xc: {  	[smem:$0x3FB0] =	sst s4  }
0xd: {  	[smem:$0x3FB1] =	sst s5  }
0xe: {  	[smem:$0x3FB2] =	sst s6  }
0xf: {  	[smem:$0x3FB3] =	sst s7  }
0x10: {  	[smem:$0x3FB4] =	sst s8  }
0x11: {  	[smem:$0x3FB5] =	sst s9;
	s0 =	simm.s32 @!p0 $0x0  }
0x12: {  	s1 =	sld [smem:$0x3F9B];
	s0 =	simm.s32 @p0 $0x1  }
0x13: {  	[smem:$0x3FB6] =	sst s0;
	s0 =	simm.s32 @!p1 $0x0  }
0x14: {  	s2 =	sld [smem:$0x3F9A];
	s0 =	simm.s32 @p1 $0x1  }
0x15: {  	[smem:$0x3FB7] =	sst s0;
	s0 =	simm.s32 @!p2 $0x0  }
0x16: {  	s3 =	sld [smem:$0x3FDB];
	s0 =	simm.s32 @p2 $0x1  }
0x17: {  	s4 =	simm.s32 $0x1BF5;
	[smem:$0x3FB9] =	sst s0  }
0x18: {  	s0 =	sld [smem:$0x3F9C];
	_ =	swait.ge [sflag:s4], $0x0  }
0x19: {  	s7 =	sld [smem:$0x3F9D]  }
0x1a: {  	s8 =	sadd.s32 $0xFFFFE003, lr  }
0x1b: {  	s9 =	sadd.s32 $0xFFFFFEF7, lr;
	s5 =	simm.s32 $0xFFFFFFFF;
	p2 =	slt.u32 s8, $0xFFFFF086  }
0x1c: {  	p1 =	slt.u32 s9, $0xF7A;
	s5 =	simm.s32 @!p2 $0x0  }
0x1d: {  	s5 =	simm.s32 @p1 $0x1;
	p0 =	seq.s32 s7, s2  }
0x1e: {  	s7 =	smul.u32 @!p0 $0xF7A, s2;
	p2 =	seq.s32 @!p0 s5, $0x0  }
0x1f: {  	s9 =	smul.u32 $0xF7A, s1;
	s8 =	simm.s32 @!p0 $0x1BF5;
	p2 =	por !p2, p0  }
0x20: {  	[sflag:s8] =	ssyncset.s32 @!p0 $0xFFFFF086;
	s6 =	sadd.s32 @!p0 s3, s7;
	s7 =	simm.s32 @!p0 $0x108  }
0x21: {  	s3 =	sadd.s32 s3, s9;
	s6 =	sadd.s32 @!p0 $0x88, s6;
	s7 =	simm.s32 @p2 $0x1082  }
0x22: {  	[simem:s7], [sflag:s8] =	dma.local @!p0 [hbm:s6], $0xF7A  }
0x23: {  	s9 =	sor.u32 $0xD0000000, s2;
	s6 =	simm.s32 $0x108;
	_ =	swait.ge @!p0 [sflag:s8], $0x0  }
0x24: {  	s3 =	sadd.s32 $0x88, s3;
	s6 =	simm.s32 @!p1 $0x1082;
	[sflag:s4] =	ssyncset.s32 $0xFFFFF086  }
0x25: {  	[simem:s6], [sflag:s4] =	dma.local [hbm:s3], $0xF7A  }
0x26: {  	[smem:$0x3F9D] =	sst s1;
	(tag) =	ssettag s2;
	_ =	strace s9  }
0x27: {  	s1 =	sld [smem:$0x3FAD]  }
0x28: {  	s2 =	sld [smem:$0x3FAE]  }
0x29: {  	s4 =	sld [smem:$0x3FB0]  }
0x2a: {  	p0 =	seq.s32 s5, $0x0;
	s5 =	sld [smem:$0x3FB1]  }
0x2b: {  	s6 =	sld [smem:$0x3FB2]  }
0x2c: {  	s7 =	sld [smem:$0x3FB3]  }
0x2d: {  	s3 =	simm.s32 $0x108;
	s8 =	sld [smem:$0x3FB4]  }
0x2e: {  	s3 =	simm.s32 @!p0 $0x1082;
	s9 =	sld [smem:$0x3FB5]  }
0x2f: {  	lr =	sadd.s32 s0, s3;
	s0 =	sld [smem:$0x3FAC]  }
0x30: {  	s3 =	sld [smem:$0x3FAF]  }
0x31: {  	[smem:$0x3FB8] =	sst s10  }
0x32: {  	s10 =	sld [smem:$0x3FB6];
	_ =	sdelay $0x3  }
0x33: {  	p0 =	seq.s32 s10, $0x1;
	s10 =	sld [smem:$0x3FB8];
	_ =	sdelay $0x3  }
0x34: {  	[smem:$0x3FB8] =	sst s10  }
0x35: {  	s10 =	sld [smem:$0x3FB7];
	_ =	sdelay $0x3  }
0x36: {  	p1 =	seq.s32 s10, $0x1;
	s10 =	sld [smem:$0x3FB8];
	_ =	sdelay $0x3  }
0x37: {  	[smem:$0x3FB8] =	sst s10  }
0x38: {  	s10 =	sld [smem:$0x3FB9]  }
0x39: {  	_ = 	snop;
	(pc) =	sbr.ind lr, $3  }
0x3a: {  	_ = 	snop  }
0x3b: {  	_ = 	snop  }
0x3c: {  	p2 =	seq.s32 s10, $0x1;
	s10 =	sld [smem:$0x3FB8]  }
0x3d: {  	_ =	shalt  }
0x3e: {  	_ =	shalt  }
0x3f: {  	_ =	shalt  }
0x40: {  	_ =	shalt  }
0x41: {  	_ =	shalt  }
0x42: {  	_ =	shalt  }
0x43: {  	_ =	shalt  }
0x44: {  	_ =	shalt  }
0x45: {  	_ =	shalt  }
0x46: {  	_ =	shalt  }
0x47: {  	_ =	shalt  }
0x48: {  	_ =	shalt  }
0x49: {  	_ =	shalt  }
0x4a: {  	_ =	shalt  }
0x4b: {  	_ =	shalt  }
0x4c: {  	_ =	shalt  }
0x4d: {  	_ =	shalt  }
0x4e: {  	_ =	shalt  }
0x4f: {  	_ =	shalt  }
0x50: {  	_ =	shalt  }
0x51: {  	_ =	shalt  }
0x52: {  	_ =	shalt  }
0x53: {  	_ =	shalt  }
0x54: {  	_ =	shalt  }
0x55: {  	_ =	shalt  }
0x56: {  	_ =	shalt  }
0x57: {  	_ =	shalt  }
0x58: {  	_ =	shalt  }
0x59: {  	_ =	shalt  }
0x5a: {  	_ =	shalt  }
0x5b: {  	_ =	shalt  }
0x5c: {  	_ =	shalt  }
0x5d: {  	_ =	shalt  }
0x5e: {  	_ =	shalt  }
0x5f: {  	_ =	shalt  }
0x60: {  	_ =	shalt  }
0x61: {  	_ =	shalt  }
0x62: {  	_ =	shalt  }
0x63: {  	_ =	shalt  }
0x64: {  	_ =	shalt  }
0x65: {  	_ =	shalt  }
0x66: {  	_ =	shalt  }
0x67: {  	_ =	shalt  }
0x68: {  	_ =	shalt  }
0x69: {  	_ =	shalt  }
0x6a: {  	_ =	shalt  }
0x6b: {  	_ =	shalt  }
0x6c: {  	_ =	shalt  }
0x6d: {  	_ =	shalt  }
0x6e: {  	_ =	shalt  }
0x6f: {  	_ =	shalt  }
0x70: {  	_ =	shalt  }
0x71: {  	_ =	shalt  }
0x72: {  	_ =	shalt  }
0x73: {  	_ =	shalt  }
0x74: {  	_ =	shalt  }
0x75: {  	_ =	shalt  }
0x76: {  	_ =	shalt  }
0x77: {  	_ =	shalt  }
0x78: {  	_ =	shalt  }
0x79: {  	_ =	shalt  }
0x7a: {  	_ =	shalt  }
0x7b: {  	_ =	shalt  }
0x7c: {  	_ =	shalt  }
0x7d: {  	_ =	shalt  }
0x7e: {  	_ =	shalt  }
0x7f: {  	_ =	shalt  }
0x80: {  	_ =	shalt  }
0x81: {  	_ =	shalt  }
0x82: {  	_ =	shalt  }
0x83: {  	_ =	shalt  }
0x84: {  	_ =	shalt  }
0x85: {  	_ =	shalt  }
0x86: {  	_ =	shalt  }
0x87: {  	_ =	shalt  }
.Lfunc_end0:
.L_simem_size_0:
called_computation_lowered:
.L_overlay_start_0:
0x88: {  	s2 =	sld [smem:$0x3FD9]  }
0x89: {  	s3 =	sld [smem:$0x3FFE];
	_ =	sdelay $0x1  }
0x8a: {  	s1 =	srdreg.scid  }
0x8b: {  	s0 =	sand.u32 $0x1, s1  }
0x8c: {  	s17 =	sshll.u32 s0, $0xA;
	s2 =	sadd.s32 s3, s2  }
0x8d: {  	s2 =	sadd.s32 s2, s17  }
0x8e: {  	[smem:$0x3FC4] =	sst s2  }
0x8f: {  	_ = 	snop  }
0x90: {  	s2 =	sld [smem:$0x3FC9]  }
0x91: {  	s18 =	sld [smem:$0x3FD0];
	(tm) =	ssettm $0x1  }
0x92: {  	s4 =	sld [smem:$0x3FFB];
	_ =	sdelay $0x3  }
0x93: {  	_ =	strace s4  }
0x94: {  	s4 =	sld [smem:$0x3FFC];
	_ =	sdelay $0x3  }
0x95: {  	_ =	strace s4  }
0x96: {  	s4 =	sld [smem:$0x3FFD];
	_ =	sdelay $0x3  }
0x97: {  	_ =	strace s4  }
0x98: {  	_ =	strace $0x8FFFFFFF  }
0x99: {  	s19 =	sld [smem:$0x3FDB];
	_ =	sdelay $0x1  }
0x9a: {  	s5 =	simm.s32 $_scs_section_size  }
0x9b: {  	s6 =	simm.s32 $_size__tile_overlayer_lowered;
	s7 =	simm.s32 $_tile_overlayer_lowered  }
0x9c: {  	s22 =	simm.s32 $0x1BFF;
	s21 =	sshll.u32 s7, $0x1;
	s4 =	sadd.s32 s5, s19  }
0x9d: {  	s8 =	simm.s32 $0x0;
	s20 =	sshll.u32 s6, $0x1;
	s6 =	sadd.s32 s21, s4  }
0x9e: {  	[timem:s8], [sflag:s22] =	dma.local [hbm:s6], s20  }
0x9f: {  	_ =	swait.ge [sflag:s22], s20  }
0xa0: {  	s5 =	ssub.s32 $0x0, s20;
	[sflag:s22] =	ssyncset.done $0x0  }
0xa1: {  	[sflag:s22] =	ssyncadd.s32 s5;
	_ =	sdelay $0x1  }
0xa2: {  	s23 =	simm.s32 $0x1B8B  }
0xa3: {  	_ =	swait.ge [sflag:s23], $0x1  }
0xa4: {  	[sflag:s23] =	ssyncset.done $0x0  }
0xa5: {  	s25 =	simm.s32 $0x1B8E;
	s24 =	sld [smem:$0x3FFE];
	[sflag:s23] =	ssyncadd.s32 $0xFFFFFFFF  }
0xa6: {  	s26 =	simm.s32 $execute0_lowered;
	[smem:$0x3FD2] =	sst s25  }
0xa7: {  	s6 =	sshll.u32 s26, $0x1;
	_ =	strace $0x80000046;
	[dreg:$0x1] =	wrdreg $0xFFFFFFFF  }
0xa8: {  	s28 =	simm.s32 $_size_execute0_lowered;
	s4 =	sadd.s32 s4, s6;
	[dreg:$0x0] =	wrdreg $0x0  }
0xa9: {  	s6 =	sshll.u32 s28, $0x1;
	[dreg:$0x2] =	wrdreg s4  }
0xaa: {  	[dreg:$0x3] =	wrdreg s6  }
0xab: {  	[dreg:$0x4] =	wrdreg $0xC0  }
0xac: {  	_ =	task [dreg:s8], $0x5FFFF  }
0xad: {  	[dreg:$0x1] =	wrdreg $0xFFFFFFFF  }
0xae: {  	[dreg:$0x0] =	wrdreg $0x60  }
0xaf: {  	[dreg:$0x2] =	wrdreg s2  }
0xb0: {  	[dreg:$0x3] =	wrdreg s24  }
0xb1: {  	[dreg:$0x4] =	wrdreg s18  }
0xb2: {  	[dreg:$0x5] =	wrdreg $0xA3800  }
0xb3: {  	[dreg:$0x6] =	wrdreg $0x9  }
0xb4: {  	_ =	task.clear_ibuf [dreg:s8], $0x7FFFF;
	_ =	strace $0x90000046  }
0xb5: {  	s29 =	simm.s32 $0x9;
	_ =	strace $0x80000048  }
0xb6: {  	_ =	swait.ge [sflag:s29], $0x1  }
0xb7: {  	[sflag:s29] =	ssyncadd.s32 $0xFFFFFFFF  }
0xb8: {  	_ =	strace $0x90000048  }
0xb9: {  	_ =	sfence  }
0xba: {  	s30 =	sld [smem:$0x0];
	_ =	sdelay $0x2  }
0xbb: {  	s31 =	sshll.u32 s1, $0xD;
	s1 =	sshrl.u32 s1, $0x2  }
0xbc: {  	s3 =	sand.u32 $0x4000, s31;
	s1 =	sadd.s32 s1, s30  }
0xbd: {  	s0 =	sor.u32 s3, s0;
	s1 =	sshll.u32 s1, $0x11  }
0xbe: {  	s0 =	sor.u32 s1, s0  }
0xbf: {  	s0 =	sadd.s32 $0x8F2B, s0  }
0xc0: {  	[sflag:s0] =	ssyncadd.remote.s32 $0x1  }
0xc1: {  	_ =	sfence.sel $0xFFFF  }
0xc2: {  	[dreg:$0x0] =	wrdreg $0xFFFFFFFF;
	(pc) =	sbr.abs _section_cstart, $3  }
0xc3: {  	[dreg:$0x1] =	wrdreg $0xFFFFFFFF  }
0xc4: {  	_ =	task.clear_ibuf [dreg:s8], $0x2FFFF;
	_ =	strace $0x9FFFFFFF  }
0xc5: {  	(tm) =	ssettm $0x7FFFFFFF  }
tec
execute0_lowered:
.L_overlay_start_1:
0x0: {  	(tag) =	ssettag $0x1  }
0x1: {  	s4 =	rddreg [dreg:$0x0]  }
0x2: {  	s1 =	rddreg [dreg:$0x1]  }
0x3: {  	s21 =	rddreg [dreg:$0x2];
	s2 =	srdreg.scid  }
0x4: {  	s5 =	rddreg [dreg:$0x3];
	s9 =	stileid.u32  }
0x5: {  	s0 =	simm.s32 $0x0;
	s30 =	simm.s32 $0x2900;
	s7 =	smul.u32 $0x14000, s9  }
0x6: {  	s31 =	simm.s32 $0x7B80;
	s28 =	simm.s32 $0x3;
	s24 =	smul.u32 $0x50000, s9  }
0x7: {  	s2 =	sand.u32 $0x1, s2;
	s3 =	sshll.u32 s9, $0x1;
	s9 =	smul.u32 $0x4E20, s9  }
0x8: {  	[smem:$0x7FF] =	sst s0;
	s6 =	smul.u32 $0x140000, s2;
	s3 =	sor.u32 s2, s3  }
0x9: {  	_ =	strace $0x80000047;
	s22 =	ssub.s32 $0x2, s2;
	s2 =	smul.u32 $0x2710, s2  }
0xa: {  	s3 =	smul.u32 $0x2710, s3;
	s23 =	sshrl.u32 s22, $0x1;
	s6 =	sadd.s32 s7, s6  }
0xb: {  	s2 =	sadd.s32 s2, s9;
	s7 =	simm.s32 $0x1;
	s9 =	simm.s32 $0x1  }
0xc: {  	s3 =	sshrl.u32 s3, $0x3;
	s6 =	sshrl.u32 s6, $0x3;
	s16 =	sadd.s32 $0x230, s2  }
0xd: {  	s17 =	sadd.s32 $0x190, s2;
	s18 =	sadd.s32 $0x1E0, s2;
	s20 =	sadd.s32 $0x320, s2  }
0xe: {  	s8 =	sadd.s32 s3, s1;
	s10 =	sadd.s32 s21, s3;
	[dreg:$0x14] =	wrdreg s18  }
0xf: {  	s1 =	sadd.s32 s6, s1;
	s25 =	sadd.s32 $0x200, s8;
	[dreg:$0x5] =	wrdreg s10  }
0x10: {  	s6 =	ssub.s32 s22, s23;
	s26 =	sadd.s32 $0xA, s10;
	[dreg:$0x6] =	wrdreg s25  }
0x11: {  	s3 =	sshrl.u32 s24, $0x2;
	s29 =	sadd.s32 $0x14, s10;
	[dreg:$0x7] =	wrdreg s26  }
0x12: {  	s22 =	sadd.s32 $0x2D0, s2;
	s8 =	sadd.s32 $0x1E, s10;
	[dreg:$0x8] =	wrdreg s29  }
0x13: {  	s2 =	sadd.s32 $0x280, s2;
	s11 =	sadd.s32 $0x28, s10;
	[dreg:$0x9] =	wrdreg s8  }
0x14: {  	s18 =	simm.s32 $0x4;
	s1 =	sadd.s32 $0xA000, s1;
	[dreg:$0xa] =	wrdreg s11  }
0x15: {  	s23 =	sadd.s32 s3, s5;
	s6 =	smax.u32 s6, $0x1;
	[dreg:$0x11] =	wrdreg s1  }
0x16: {  	s2 =	sshrl.u32 s2, $0x3;
	s10 =	simm.s32 $0x9;
	[dreg:$0x12] =	wrdreg s6  }
0x17: {  	s3 =	sadd.s32 $0x2800, s23;
	s12 =	sadd.s32 $0x5000, s23;
	[dreg:$0xb] =	wrdreg s23  }
0x18: {  	s13 =	sadd.s32 $0x7800, s23;
	s14 =	sadd.s32 $0xA000, s23;
	[dreg:$0xc] =	wrdreg s3  }
0x19: {  	s15 =	sadd.s32 $0xC800, s23;
	s1 =	sshrl.u32 s16, $0x3;
	[dreg:$0xd] =	wrdreg s12  }
0x1a: {  	s25 =	sadd.s32 s2, s21;
	s26 =	sadd.s32 $0xF000, s23;
	[dreg:$0xe] =	wrdreg s13  }
0x1b: {  	s29 =	sadd.s32 $0x11800, s23;
	s8 =	simm.s32 $0x2;
	[dreg:$0xf] =	wrdreg s14  }
0x1c: {  	s11 =	simm.s32 $0x50;
	s16 =	simm.s32 $0x5380;
	[dreg:$0x10] =	wrdreg s15  }
0x1d: {  	s2 =	simm.s32 $0x7;
	s6 =	simm.s32 $0xA;
	[dreg:$0x18] =	wrdreg s25  }
0x1e: {  	s3 =	sshrl.u32 s17, $0x3;
	s1 =	sadd.s32 s1, s21;
	[dreg:$0x19] =	wrdreg s26  }
0x1f: {  	[dreg:$0x1a] =	wrdreg s29;
	s14 =	simm.s32 $0x2780;
	s15 =	simm.s32 $0x2800  }
0x20: {  	s17 =	simm.s32 $0x2880;
	s25 =	simm.s32 $0x2980;
	s13 =	simm.s32 $0x2B80  }
0x21: {  	s26 =	simm.s32 $0xB;
	[dreg:$0x13] =	wrdreg s1;
	s19 =	sadd.s32 s3, s21  }
0x22: {  	s1 =	sshrl.u32 s20, $0x3;
	s3 =	sshrl.u32 s22, $0x3;
	s20 =	simm.s32 $0x2A00  }
0x23: {  	s22 =	simm.s32 $0x8;
	[dreg:$0x15] =	wrdreg s19;
	s1 =	sadd.s32 s1, s21  }
0x24: {  	s24 =	sadd.s32 s3, s21;
	s19 =	simm.s32 $0x5;
	[dreg:$0x16] =	wrdreg s1  }
0x25: {  	v0 =	vimm.f32 $0.0e+00;
	s3 =	simm.s32 $0x0;
	[dreg:$0x17] =	wrdreg s24;
	s24 =	simm.s32 $0x6  }
.LBB2_1:
0x26: {  	[dreg:$0x1b] =	wrdreg s3  }
0x27: {  	s1 =	rddreg [dreg:$0x6]  }
0x28: {  	[tilespmem:s0], [sflag:$0xD] =	stream.linear.gather [hbm4b:s1+s0], $0x2710, $0x38;
	[tilespmem:$0x1E380] =	vst v63  }
0x29: {  	s12 =	rddreg [dreg:$0x5]  }
0x2a: {  	[tilespmem:s14], [sflag:$0x7] =	stream.linear.gather [hbm4b:s12+s0], $0x50, $0x38;
	[tilespmem:$0x1E380] =	vst v63  }
0x2b: {  	s29 =	rddreg [dreg:$0x7]  }
0x2c: {  	[tilespmem:s15], [sflag:$0x8] =	stream.linear.gather [hbm4b:s29+s0], $0x50, $0x38;
	[tilespmem:$0x1E380] =	vst v63  }
0x2d: {  	s3 =	rddreg [dreg:$0x8]  }
0x2e: {  	[tilespmem:s17], [sflag:$0x9] =	stream.linear.gather [hbm4b:s3+s0], $0x50, $0x38;
	[tilespmem:$0x1E380] =	vst v63  }
0x2f: {  	s12 =	rddreg [dreg:$0x9]  }
0x30: {  	[tilespmem:s30], [sflag:$0xA] =	stream.linear.gather [hbm4b:s12+s0], $0x50, $0x38;
	[tilespmem:$0x1E380] =	vst v63  }
0x31: {  	s29 =	rddreg [dreg:$0xa];
	s3 =	simm.s32 $0x0;
	s12 =	simm.s32 $0x200  }
0x32: {  	[tilespmem:s25], [sflag:$0xB] =	stream.linear.gather [hbm4b:s29+s0], $0x50, $0x38;
	[tilespmem:$0x1E380] =	vst v63  }
.LBB2_2:
0x33: {  	p0 =	sne.s32 s12, $0x9E00;
	[tilespmem:s3+$0x2BF0] =	vst v0  }
0x34: {  	[tilespmem:s3+$0x2B80] =	vst v0  }
0x35: {  	[tilespmem:s3+$0x2B90] =	vst v0  }
.Ltmp0:
0x36: {  	[tilespmem:s3+$0x2BA0] =	vst v0;
	(pc) =	sbr.rel @p0 .LBB2_2-.Ltmp0, $4  }
0x37: {  	[tilespmem:s3+$0x2BB0] =	vst v0  }
0x38: {  	[tilespmem:s3+$0x2BC0] =	vst v0  }
0x39: {  	[tilespmem:s3+$0x2BD0] =	vst v0  }
0x3a: {  	[tilespmem:s3+$0x2BE0] =	vst v0;
	s3 =	sshra.s32 s12, $0x2;
	s12 =	sadd.s32 $0x200, s12  }
0x3b: {  	[tilespmem:s3+$0x2BF0] =	vst v0  }
0x3c: {  	[tilespmem:s3+$0x2B80] =	vst v0  }
0x3d: {  	[tilespmem:s3+$0x2B90] =	vst v0  }
0x3e: {  	[tilespmem:s3+$0x2BA0] =	vst v0  }
0x3f: {  	[tilespmem:s3+$0x2BB0] =	vst v0  }
0x40: {  	[tilespmem:s3+$0x2BC0] =	vst v0  }
0x41: {  	[tilespmem:s3+$0x2BD0] =	vst v0  }
0x42: {  	[tilespmem:s3+$0x2BE0] =	vst v0  }
0x43: {  	[spmem:s23] =	stream.linear.scatter [tilespmem:s13], [sflag:$0x1], $0x2800, $0x38;
	[tilespmem:$0x1E380] =	vst v63  }
0x44: {  	s1 =	rddreg [dreg:$0xc]  }
0x45: {  	[spmem:s1] =	stream.linear.scatter [tilespmem:s13], [sflag:$0x2], $0x2800, $0x38;
	[tilespmem:$0x1E380] =	vst v63  }
0x46: {  	s3 =	rddreg [dreg:$0xd]  }
0x47: {  	[spmem:s3] =	stream.linear.scatter [tilespmem:s13], [sflag:$0x1], $0x2800, $0x38;
	[tilespmem:$0x1E380] =	vst v63  }
0x48: {  	s12 =	rddreg [dreg:$0xe]  }
0x49: {  	[spmem:s12] =	stream.linear.scatter [tilespmem:s13], [sflag:$0x2], $0x2800, $0x38;
	[tilespmem:$0x1E380] =	vst v63  }
0x4a: {  	s23 =	rddreg [dreg:$0xf]  }
0x4b: {  	[spmem:s23] =	stream.linear.scatter [tilespmem:s13], [sflag:$0x1], $0x2800, $0x38;
	[tilespmem:$0x1E380] =	vst v63  }
0x4c: {  	s3 =	rddreg [dreg:$0x10]  }
0x4d: {  	[spmem:s3] =	stream.linear.scatter [tilespmem:s13], [sflag:$0x2], $0x2800, $0x38;
	[tilespmem:$0x1E380] =	vst v63  }
0x4e: {  	s12 =	rddreg [dreg:$0x19]  }
0x4f: {  	[spmem:s12] =	stream.linear.scatter [tilespmem:s13], [sflag:$0x1], $0x2800, $0x38;
	[tilespmem:$0x1E380] =	vst v63  }
0x50: {  	s23 =	rddreg [dreg:$0x1a]  }
0x51: {  	[spmem:s23] =	stream.linear.scatter [tilespmem:s13], [sflag:$0x2], $0x2800, $0x38;
	[tilespmem:$0x1E380] =	vst v63  }
0x52: {  	_ =	swait.ge [sflag:s7], $0x2800  }
0x53: {  	[sflag:s7] =	ssyncset.done $0x0  }
0x54: {  	[sflag:s7] =	ssyncadd.s32 $0xFFFFD800  }
0x55: {  	_ =	swait.ge [sflag:s8], $0x2800  }
0x56: {  	[sflag:s8] =	ssyncset.done $0x0  }
0x57: {  	[sflag:s8] =	ssyncadd.s32 $0xFFFFD800  }
0x58: {  	_ =	swait.ge [sflag:s7], $0x2800  }
0x59: {  	[sflag:s7] =	ssyncset.done $0x0  }
0x5a: {  	[sflag:s7] =	ssyncadd.s32 $0xFFFFD800  }
0x5b: {  	_ =	swait.ge [sflag:s8], $0x2800  }
0x5c: {  	[sflag:s8] =	ssyncset.done $0x0  }
0x5d: {  	[sflag:s8] =	ssyncadd.s32 $0xFFFFD800  }
0x5e: {  	_ =	swait.ge [sflag:s7], $0x2800  }
0x5f: {  	[sflag:s7] =	ssyncset.done $0x0  }
0x60: {  	[sflag:s7] =	ssyncadd.s32 $0xFFFFD800  }
0x61: {  	_ =	swait.ge [sflag:s8], $0x2800  }
0x62: {  	[sflag:s8] =	ssyncset.done $0x0  }
0x63: {  	[sflag:s8] =	ssyncadd.s32 $0xFFFFD800  }
0x64: {  	_ =	swait.ge [sflag:s7], $0x2800  }
0x65: {  	[sflag:s7] =	ssyncset.done $0x0  }
0x66: {  	[sflag:s7] =	ssyncadd.s32 $0xFFFFD800  }
0x67: {  	_ =	swait.ge [sflag:s8], $0x2800  }
0x68: {  	[sflag:s8] =	ssyncset.done $0x0  }
0x69: {  	s3 =	simm.s32 $0xD;
	[sflag:s8] =	ssyncadd.s32 $0xFFFFD800  }
0x6a: {  	_ =	swait.ge [sflag:s3], $0x2710  }
0x6b: {  	[sflag:s3] =	ssyncset.done $0x0  }
0x6c: {  	[sflag:s3] =	ssyncadd.s32 $0xFFFFD8F0  }
0x6d: {  	s12 =	simm.s32 $0x0;
	[bflag:$0x0] =	sbarrier.arrive $0xFFFF  }
0x6e: {  	[tilespmem:s13], [sflag:$0x1] =	stream.indirect.gather [hbm4b:s4+s11], $0x80, s12, s11, $0xb8;
	[tilespmem:$0x1E380] =	vst v63  }
0x6f: {  	_ = 	snop  }
0x70: {  	[tilespmem:s16], [sflag:$0x2] =	stream.indirect.gather [hbm4b:s4+s11], $0x80, s11, s11, $0xb8;
	[tilespmem:$0x1E380] =	vst v63  }
0x71: {  	_ =	swait.ge [sflag:s7], $0x2800  }
0x72: {  	[sflag:s7] =	ssyncset.done $0x0  }
0x73: {  	[sflag:s7] =	ssyncadd.s32 $0xFFFFD800  }
0x74: {  	_ =	swait.ge [sflag:s2], $0x50  }
0x75: {  	p0 =	por $0x1, $0x1;
	[sflag:s2] =	ssyncset.done $0x0  }
0x76: {  	s3 =	simm.s32 @!p0 $0x6;
	[sflag:s2] =	ssyncadd.s32 $0xFFFFFFB0  }
0x77: {  	[spmem:s5] =	stream.indirect.scatter.add.f32 [tilespmem:s13], [sflag:$0x4], $0x80, s14, s11, $0xb8;
	[tilespmem:$0x1E380] =	vst v63  }
0x78: {  	_ =	swait.ge @!p0 [sflag:s3], $0x2800  }
0x79: {  	[sflag:s3] =	ssyncset.done @!p0 $0x0  }
0x7a: {  	s2 =	rddreg [dreg:$0x15];
	[sflag:s3] =	ssyncadd.s32 @!p0 $0xFFFFD800  }
0x7b: {  	[tilespmem:s20], [sflag:$0xC] =	stream.linear.gather [hbm4b:s2+s0], $0x50, $0x38;
	[tilespmem:$0x1E380] =	vst v63  }
0x7c: {  	s23 =	simm.s32 $0xA0  }
0x7d: {  	[tilespmem:s31], [sflag:$0x3] =	stream.indirect.gather [hbm4b:s4+s11], $0x80, s23, s11, $0xb8;
	[tilespmem:$0x1E380] =	vst v63  }
0x7e: {  	_ =	swait.ge [sflag:s8], $0x2800  }
0x7f: {  	[sflag:s8] =	ssyncset.done $0x0  }
0x80: {  	[sflag:s8] =	ssyncadd.s32 $0xFFFFD800  }
0x81: {  	_ =	swait.ge [sflag:s22], $0x50  }
0x82: {  	[sflag:s22] =	ssyncset.done $0x0  }
0x83: {  	[sflag:s22] =	ssyncadd.s32 $0xFFFFFFB0  }
0x84: {  	[spmem:s5] =	stream.indirect.scatter.add.f32 [tilespmem:s16], [sflag:$0x5], $0x80, s15, s11, $0xb8;
	[tilespmem:$0x1E380] =	vst v63  }
0x85: {  	_ =	swait.ge [sflag:s18], $0x2800  }
0x86: {  	s29 =	rddreg [dreg:$0x14]  }
0x87: {  	[sflag:s18] =	ssyncset.done $0x0;
	s0 =	sshrl.u32 s29, $0x3  }
0x88: {  	s7 =	simm.s32 $0x0;
	[sflag:s18] =	ssyncadd.s32 $0xFFFFD800;
	s3 =	sadd.s32 s21, s0  }
0x89: {  	[tilespmem:s14], [sflag:$0x7] =	stream.linear.gather [hbm4b:s3+s7], $0x50, $0x38;
	[tilespmem:$0x1E380] =	vst v63  }
0x8a: {  	s1 =	simm.s32 $0xF0  }
0x8b: {  	[tilespmem:s13], [sflag:$0x1] =	stream.indirect.gather [hbm4b:s4+s11], $0x80, s1, s11, $0xb8;
	[tilespmem:$0x1E380] =	vst v63  }
0x8c: {  	_ =	swait.ge [sflag:s28], $0x2800  }
0x8d: {  	[sflag:s28] =	ssyncset.done $0x0  }
0x8e: {  	[sflag:s28] =	ssyncadd.s32 $0xFFFFD800  }
0x8f: {  	_ =	swait.ge [sflag:s10], $0x50  }
0x90: {  	[sflag:s10] =	ssyncset.done $0x0  }
0x91: {  	[sflag:s10] =	ssyncadd.s32 $0xFFFFFFB0  }
0x92: {  	[spmem:s5] =	stream.indirect.scatter.add.f32 [tilespmem:s31], [sflag:$0x6], $0x80, s17, s11, $0xb8;
	[tilespmem:$0x1E380] =	vst v63  }
0x93: {  	_ =	swait.ge [sflag:s19], $0x2800  }
0x94: {  	[sflag:s19] =	ssyncset.done $0x0  }
0x95: {  	s10 =	rddreg [dreg:$0x13];
	[sflag:s19] =	ssyncadd.s32 $0xFFFFD800  }
0x96: {  	[tilespmem:s15], [sflag:$0x8] =	stream.linear.gather [hbm4b:s10+s7], $0x50, $0x38;
	[tilespmem:$0x1E380] =	vst v63  }
0x97: {  	s15 =	simm.s32 $0x140  }
0x98: {  	[tilespmem:s16], [sflag:$0x2] =	stream.indirect.gather [hbm4b:s4+s11], $0x80, s15, s11, $0xb8;
	[tilespmem:$0x1E380] =	vst v63  }
0x99: {  	_ =	swait.ge [sflag:s9], $0x2800  }
0x9a: {  	[sflag:s9] =	ssyncset.done $0x0  }
0x9b: {  	[sflag:s9] =	ssyncadd.s32 $0xFFFFD800  }
0x9c: {  	_ =	swait.ge [sflag:s6], $0x50  }
0x9d: {  	[sflag:s6] =	ssyncset.done $0x0  }
0x9e: {  	[sflag:s6] =	ssyncadd.s32 $0xFFFFFFB0  }
0x9f: {  	[spmem:s5] =	stream.indirect.scatter.add.f32 [tilespmem:s13], [sflag:$0x4], $0x80, s30, s11, $0xb8;
	[tilespmem:$0x1E380] =	vst v63  }
0xa0: {  	_ =	swait.ge [sflag:s24], $0x2800  }
0xa1: {  	[sflag:s24] =	ssyncset.done $0x0  }
0xa2: {  	s21 =	rddreg [dreg:$0x18];
	[sflag:s24] =	ssyncadd.s32 $0xFFFFD800  }
0xa3: {  	[tilespmem:s17], [sflag:$0x9] =	stream.linear.gather [hbm4b:s21+s7], $0x50, $0x38;
	[tilespmem:$0x1E380] =	vst v63  }
0xa4: {  	s23 =	simm.s32 $0x190  }
0xa5: {  	[tilespmem:s31], [sflag:$0x3] =	stream.indirect.gather [hbm4b:s4+s11], $0x80, s23, s11, $0xb8;
	[tilespmem:$0x1E380] =	vst v63  }
0xa6: {  	_ =	swait.ge [sflag:s8], $0x2800  }
0xa7: {  	[sflag:s8] =	ssyncset.done $0x0  }
0xa8: {  	[sflag:s8] =	ssyncadd.s32 $0xFFFFD800  }
0xa9: {  	_ =	swait.ge [sflag:s26], $0x50  }
0xaa: {  	[sflag:s26] =	ssyncset.done $0x0  }
0xab: {  	[sflag:s26] =	ssyncadd.s32 $0xFFFFFFB0  }
0xac: {  	[spmem:s5] =	stream.indirect.scatter.add.f32 [tilespmem:s16], [sflag:$0x5], $0x80, s25, s11, $0xb8;
	[tilespmem:$0x1E380] =	vst v63  }
0xad: {  	_ =	swait.ge [sflag:s18], $0x2800  }
0xae: {  	[sflag:s18] =	ssyncset.done $0x0  }
0xaf: {  	s12 =	rddreg [dreg:$0x17];
	[sflag:s18] =	ssyncadd.s32 $0xFFFFD800  }
0xb0: {  	[tilespmem:s30], [sflag:$0xA] =	stream.linear.gather [hbm4b:s12+s7], $0x50, $0x38;
	[tilespmem:$0x1E380] =	vst v63  }
0xb1: {  	s26 =	simm.s32 $0x1E0  }
0xb2: {  	[tilespmem:s13], [sflag:$0x1] =	stream.indirect.gather [hbm4b:s4+s11], $0x80, s26, s11, $0xb8;
	[tilespmem:$0x1E380] =	vst v63  }
0xb3: {  	_ =	swait.ge [sflag:s28], $0x2800  }
0xb4: {  	[sflag:s28] =	ssyncset.done $0x0  }
0xb5: {  	s14 =	simm.s32 $0xC;
	[sflag:s28] =	ssyncadd.s32 $0xFFFFD800  }
0xb6: {  	s22 =	simm.s32 $0x7;
	s3 =	smov.u32 s10;
	_ =	swait.ge [sflag:s14], $0x50  }
0xb7: {  	s15 =	simm.s32 $0x5;
	s24 =	sadd.s32 $0x3C, s21;
	[sflag:s14] =	ssyncset.done $0x0  }
0xb8: {  	s17 =	simm.s32 $0x7B80;
	s21 =	sadd.s32 $0x3C, s2;
	[sflag:s14] =	ssyncadd.s32 $0xFFFFFFB0  }
0xb9: {  	[spmem:s5] =	stream.indirect.scatter.add.f32 [tilespmem:s31], [sflag:$0x6], $0x80, s20, s11, $0xb8;
	[tilespmem:$0x1E380] =	vst v63  }
0xba: {  	s23 =	simm.s32 $0x780;
	s16 =	simm.s32 $0x5380;
	_ =	swait.ge [sflag:s19], $0x2800  }
0xbb: {  	s18 =	simm.s32 $0x2;
	s12 =	sadd.s32 $0x3C, s12;
	[sflag:s19] =	ssyncset.done $0x0  }
0xbc: {  	s13 =	simm.s32 $0x2B80;
	s30 =	rddreg [dreg:$0x16];
	[sflag:s19] =	ssyncadd.s32 $0xFFFFD800  }
0xbd: {  	[tilespmem:s25], [sflag:$0xB] =	stream.linear.gather [hbm4b:s30+s7], $0x50, $0x38;
	[tilespmem:$0x1E380] =	vst v63  }
0xbe: {  	s31 =	simm.s32 $0x230;
	s19 =	simm.s32 $0x4;
	s25 =	sadd.s32 $0x3C, s30  }
.LBB2_4:
0xbf: {  	[tilespmem:s16], [sflag:$0x2] =	stream.indirect.gather [hbm4b:s4+s11], $0x80, s31, s11, $0xb8;
	[tilespmem:$0x1E380] =	vst v63  }
0xc0: {  	_ =	swait.ge [sflag:s9], $0x2800  }
0xc1: {  	[sflag:s9] =	ssyncset.done $0x0  }
0xc2: {  	[sflag:s9] =	ssyncadd.s32 $0xFFFFD800  }
0xc3: {  	s1 =	smov.u32 s23;
	_ =	swait.ge [sflag:s22], $0x50  }
0xc4: {  	p1 =	seq.s32 s1, $0x0;
	[sflag:s22] =	ssyncset.done $0x0  }
0xc5: {  	s10 =	simm.s32 $0x2780;
	s31 =	simm.s32 @!p1 $0x6;
	[sflag:s22] =	ssyncadd.s32 $0xFFFFFFB0  }
0xc6: {  	[spmem:s5] =	stream.indirect.scatter.add.f32 [tilespmem:s13], [sflag:$0x4], $0x80, s10, s11, $0xb8;
	[tilespmem:$0x1E380] =	vst v63  }
0xc7: {  	_ =	swait.ge @!p1 [sflag:s31], $0x2800  }
0xc8: {  	[sflag:s31] =	ssyncset.done @!p1 $0x0  }
0xc9: {  	s8 =	simm.s32 $0x2A00;
	[sflag:s31] =	ssyncadd.s32 @!p1 $0xFFFFD800;
	s31 =	sshra.s32 s1, $0x2  }
0xca: {  	[tilespmem:s8], [sflag:$0xC] =	stream.linear.gather [hbm4b:s21+s7], $0x50, $0x38;
	[tilespmem:$0x1E380] =	vst v63  }
0xcb: {  	s1 =	sadd.s32 $0xA0, s31  }
0xcc: {  	[tilespmem:s17], [sflag:$0x3] =	stream.indirect.gather [hbm4b:s4+s11], $0x80, s1, s11, $0xb8;
	[tilespmem:$0x1E380] =	vst v63  }
0xcd: {  	_ =	swait.ge [sflag:s18], $0x2800  }
0xce: {  	[sflag:s18] =	ssyncset.done $0x0  }
0xcf: {  	s0 =	simm.s32 $0x8;
	[sflag:s18] =	ssyncadd.s32 $0xFFFFD800  }
0xd0: {  	_ =	swait.ge [sflag:s0], $0x50  }
0xd1: {  	[sflag:s0] =	ssyncset.done $0x0  }
0xd2: {  	s6 =	simm.s32 $0x2800;
	[sflag:s0] =	ssyncadd.s32 $0xFFFFFFB0  }
0xd3: {  	[spmem:s5] =	stream.indirect.scatter.add.f32 [tilespmem:s16], [sflag:$0x5], $0x80, s6, s11, $0xb8;
	[tilespmem:$0x1E380] =	vst v63  }
0xd4: {  	_ =	swait.ge [sflag:s19], $0x2800  }
0xd5: {  	s29 =	sadd.s32 $0x1E0, s29;
	[sflag:s19] =	ssyncset.done $0x0  }
0xd6: {  	s20 =	sshrl.u32 s29, $0x3;
	s2 =	rddreg [dreg:$0x2]  }
0xd7: {  	[sflag:s19] =	ssyncadd.s32 $0xFFFFD800;
	s1 =	sadd.s32 s2, s20  }
0xd8: {  	[tilespmem:s10], [sflag:$0x7] =	stream.linear.gather [hbm4b:s1+s7], $0x50, $0x38;
	[tilespmem:$0x1E380] =	vst v63  }
0xd9: {  	s26 =	sadd.s32 $0xF0, s31  }
0xda: {  	[tilespmem:s13], [sflag:$0x1] =	stream.indirect.gather [hbm4b:s4+s11], $0x80, s26, s11, $0xb8;
	[tilespmem:$0x1E380] =	vst v63  }
0xdb: {  	_ =	swait.ge [sflag:s28], $0x2800  }
0xdc: {  	[sflag:s28] =	ssyncset.done $0x0  }
0xdd: {  	s20 =	simm.s32 $0x9;
	[sflag:s28] =	ssyncadd.s32 $0xFFFFD800  }
0xde: {  	_ =	swait.ge [sflag:s20], $0x50  }
0xdf: {  	[sflag:s20] =	ssyncset.done $0x0  }
0xe0: {  	[sflag:s20] =	ssyncadd.s32 $0xFFFFFFB0;
	s20 =	simm.s32 $0x2880  }
0xe1: {  	[spmem:s5] =	stream.indirect.scatter.add.f32 [tilespmem:s17], [sflag:$0x6], $0x80, s20, s11, $0xb8;
	[tilespmem:$0x1E380] =	vst v63  }
0xe2: {  	_ =	swait.ge [sflag:s15], $0x2800  }
0xe3: {  	[sflag:s15] =	ssyncset.done $0x0  }
0xe4: {  	s3 =	sadd.s32 $0x3C, s3;
	[sflag:s15] =	ssyncadd.s32 $0xFFFFD800  }
0xe5: {  	[tilespmem:s6], [sflag:$0x8] =	stream.linear.gather [hbm4b:s3+s7], $0x50, $0x38;
	[tilespmem:$0x1E380] =	vst v63  }
0xe6: {  	s26 =	sadd.s32 $0x140, s31  }
0xe7: {  	[tilespmem:s16], [sflag:$0x2] =	stream.indirect.gather [hbm4b:s4+s11], $0x80, s26, s11, $0xb8;
	[tilespmem:$0x1E380] =	vst v63  }
0xe8: {  	_ =	swait.ge [sflag:s9], $0x2800  }
0xe9: {  	[sflag:s9] =	ssyncset.done $0x0  }
0xea: {  	s2 =	simm.s32 $0xA;
	[sflag:s9] =	ssyncadd.s32 $0xFFFFD800  }
0xeb: {  	_ =	swait.ge [sflag:s2], $0x50  }
0xec: {  	[sflag:s2] =	ssyncset.done $0x0  }
0xed: {  	s6 =	simm.s32 $0x6;
	[sflag:s2] =	ssyncadd.s32 $0xFFFFFFB0;
	s2 =	simm.s32 $0x2900  }
0xee: {  	[spmem:s5] =	stream.indirect.scatter.add.f32 [tilespmem:s13], [sflag:$0x4], $0x80, s2, s11, $0xb8;
	[tilespmem:$0x1E380] =	vst v63  }
0xef: {  	_ =	swait.ge [sflag:s6], $0x2800  }
0xf0: {  	[sflag:s6] =	ssyncset.done $0x0  }
0xf1: {  	[sflag:s6] =	ssyncadd.s32 $0xFFFFD800  }
0xf2: {  	[tilespmem:s20], [sflag:$0x9] =	stream.linear.gather [hbm4b:s24+s7], $0x50, $0x38;
	[tilespmem:$0x1E380] =	vst v63  }
0xf3: {  	s26 =	sadd.s32 $0x190, s31  }
0xf4: {  	[tilespmem:s17], [sflag:$0x3] =	stream.indirect.gather [hbm4b:s4+s11], $0x80, s26, s11, $0xb8;
	[tilespmem:$0x1E380] =	vst v63  }
0xf5: {  	_ =	swait.ge [sflag:s18], $0x2800  }
0xf6: {  	[sflag:s18] =	ssyncset.done $0x0  }
0xf7: {  	s26 =	simm.s32 $0xB;
	[sflag:s18] =	ssyncadd.s32 $0xFFFFD800  }
0xf8: {  	_ =	swait.ge [sflag:s26], $0x50  }
0xf9: {  	[sflag:s26] =	ssyncset.done $0x0  }
0xfa: {  	s20 =	simm.s32 $0x2980;
	[sflag:s26] =	ssyncadd.s32 $0xFFFFFFB0  }
0xfb: {  	[spmem:s5] =	stream.indirect.scatter.add.f32 [tilespmem:s16], [sflag:$0x5], $0x80, s20, s11, $0xb8;
	[tilespmem:$0x1E380] =	vst v63  }
0xfc: {  	_ =	swait.ge [sflag:s19], $0x2800  }
0xfd: {  	[sflag:s19] =	ssyncset.done $0x0  }
0xfe: {  	[sflag:s19] =	ssyncadd.s32 $0xFFFFD800  }
0xff: {  	[tilespmem:s2], [sflag:$0xA] =	stream.linear.gather [hbm4b:s12+s7], $0x50, $0x38;
	[tilespmem:$0x1E380] =	vst v63  }
0x100: {  	s1 =	sadd.s32 $0x1E0, s31  }
0x101: {  	[tilespmem:s13], [sflag:$0x1] =	stream.indirect.gather [hbm4b:s4+s11], $0x80, s1, s11, $0xb8;
	[tilespmem:$0x1E380] =	vst v63  }
0x102: {  	_ =	swait.ge [sflag:s28], $0x2800  }
0x103: {  	[sflag:s28] =	ssyncset.done $0x0  }
0x104: {  	[sflag:s28] =	ssyncadd.s32 $0xFFFFD800  }
0x105: {  	s23 =	sadd.s32 $0x780, s23;
	_ =	swait.ge [sflag:s14], $0x50  }
0x106: {  	s30 =	smov.u32 s25;
	s25 =	sadd.s32 $0x3C, s25;
	[sflag:s14] =	ssyncset.done $0x0  }
0x107: {  	p0 =	sne.s32 s23, $0x9600;
	s21 =	sadd.s32 $0x3C, s21;
	[sflag:s14] =	ssyncadd.s32 $0xFFFFFFB0  }
0x108: {  	[spmem:s5] =	stream.indirect.scatter.add.f32 [tilespmem:s17], [sflag:$0x6], $0x80, s8, s11, $0xb8;
	[tilespmem:$0x1E380] =	vst v63  }
.Ltmp1:
0x109: {  	s0 =	simm.s32 $0x2780;
	s10 =	simm.s32 $0x2800;
	(pc) =	sbr.rel @p0 .LBB2_4-.Ltmp1, $4  }
0x10a: {  	s31 =	sadd.s32 $0x230, s31;
	s6 =	simm.s32 $0x2880;
	_ =	swait.ge [sflag:s15], $0x2800  }
0x10b: {  	s24 =	sadd.s32 $0x3C, s24;
	s26 =	simm.s32 $0x2900;
	[sflag:s15] =	ssyncset.done $0x0  }
0x10c: {  	s12 =	sadd.s32 $0x3C, s12;
	s2 =	simm.s32 $0x2980;
	[sflag:s15] =	ssyncadd.s32 $0xFFFFD800  }
0x10d: {  	[tilespmem:s20], [sflag:$0xB] =	stream.linear.gather [hbm4b:s30+s7], $0x50, $0x38;
	[tilespmem:$0x1E380] =	vst v63  }
0x10e: {  	[tilespmem:s16], [sflag:$0x2] =	stream.indirect.gather [hbm4b:s4+s11], $0x80, s31, s11, $0xb8;
	[tilespmem:$0x1E380] =	vst v63  }
0x10f: {  	_ =	swait.ge [sflag:s9], $0x2800  }
0x110: {  	[sflag:s9] =	ssyncset.done $0x0  }
0x111: {  	[sflag:s9] =	ssyncadd.s32 $0xFFFFD800  }
0x112: {  	_ =	swait.ge [sflag:s22], $0x50  }
0x113: {  	[sflag:s22] =	ssyncset.done $0x0  }
0x114: {  	s3 =	simm.s32 $0x6;
	[sflag:s22] =	ssyncadd.s32 $0xFFFFFFB0  }
0x115: {  	[spmem:s5] =	stream.indirect.scatter.add.f32 [tilespmem:s13], [sflag:$0x4], $0x80, s0, s11, $0xb8;
	[tilespmem:$0x1E380] =	vst v63  }
0x116: {  	_ =	swait.ge [sflag:s3], $0x2800  }
0x117: {  	[sflag:s3] =	ssyncset.done $0x0  }
0x118: {  	s1 =	simm.s32 $0x2620;
	[sflag:s3] =	ssyncadd.s32 $0xFFFFD800  }
0x119: {  	[tilespmem:s17], [sflag:$0x3] =	stream.indirect.gather [hbm4b:s4+s11], $0x80, s1, s11, $0xb8;
	[tilespmem:$0x1E380] =	vst v63  }
0x11a: {  	_ =	swait.ge [sflag:s18], $0x2800  }
0x11b: {  	[sflag:s18] =	ssyncset.done $0x0  }
0x11c: {  	s8 =	simm.s32 $0x8;
	[sflag:s18] =	ssyncadd.s32 $0xFFFFD800  }
0x11d: {  	_ =	swait.ge [sflag:s8], $0x50  }
0x11e: {  	[sflag:s8] =	ssyncset.done $0x0  }
0x11f: {  	[sflag:s8] =	ssyncadd.s32 $0xFFFFFFB0  }
0x120: {  	[spmem:s5] =	stream.indirect.scatter.add.f32 [tilespmem:s16], [sflag:$0x5], $0x80, s10, s11, $0xb8;
	[tilespmem:$0x1E380] =	vst v63  }
0x121: {  	_ =	swait.ge [sflag:s19], $0x2800  }
0x122: {  	[sflag:s19] =	ssyncset.done $0x0  }
0x123: {  	s10 =	simm.s32 $0x2670;
	[sflag:s19] =	ssyncadd.s32 $0xFFFFD800  }
0x124: {  	[tilespmem:s13], [sflag:$0x1] =	stream.indirect.gather [hbm4b:s4+s11], $0x80, s10, s11, $0xb8;
	[tilespmem:$0x1E380] =	vst v63  }
0x125: {  	_ =	swait.ge [sflag:s28], $0x2800  }
0x126: {  	[sflag:s28] =	ssyncset.done $0x0  }
0x127: {  	s12 =	simm.s32 $0x9;
	[sflag:s28] =	ssyncadd.s32 $0xFFFFD800  }
0x128: {  	_ =	swait.ge [sflag:s12], $0x50  }
0x129: {  	[sflag:s12] =	ssyncset.done $0x0  }
0x12a: {  	[sflag:s12] =	ssyncadd.s32 $0xFFFFFFB0  }
0x12b: {  	[spmem:s5] =	stream.indirect.scatter.add.f32 [tilespmem:s17], [sflag:$0x6], $0x80, s6, s11, $0xb8;
	[tilespmem:$0x1E380] =	vst v63  }
0x12c: {  	_ =	swait.ge [sflag:s15], $0x2800  }
0x12d: {  	[sflag:s15] =	ssyncset.done $0x0  }
0x12e: {  	s14 =	simm.s32 $0x26C0;
	[sflag:s15] =	ssyncadd.s32 $0xFFFFD800  }
0x12f: {  	[tilespmem:s16], [sflag:$0x2] =	stream.indirect.gather [hbm4b:s4+s11], $0x80, s14, s11, $0xb8;
	[tilespmem:$0x1E380] =	vst v63  }
0x130: {  	_ =	swait.ge [sflag:s9], $0x2800  }
0x131: {  	[sflag:s9] =	ssyncset.done $0x0  }
0x132: {  	s17 =	simm.s32 $0xA;
	[sflag:s9] =	ssyncadd.s32 $0xFFFFD800  }
0x133: {  	_ =	swait.ge [sflag:s17], $0x50  }
0x134: {  	[sflag:s17] =	ssyncset.done $0x0  }
0x135: {  	[sflag:s17] =	ssyncadd.s32 $0xFFFFFFB0  }
0x136: {  	[spmem:s5] =	stream.indirect.scatter.add.f32 [tilespmem:s13], [sflag:$0x4], $0x80, s26, s11, $0xb8;
	[tilespmem:$0x1E380] =	vst v63  }
0x137: {  	_ =	swait.ge [sflag:s3], $0x2800  }
0x138: {  	[sflag:s3] =	ssyncset.done $0x0  }
0x139: {  	[sflag:s3] =	ssyncadd.s32 $0xFFFFD800  }
0x13a: {  	_ =	swait.ge [sflag:s18], $0x2800  }
0x13b: {  	[sflag:s18] =	ssyncset.done $0x0  }
0x13c: {  	s20 =	simm.s32 $0xB;
	[sflag:s18] =	ssyncadd.s32 $0xFFFFD800  }
0x13d: {  	_ =	swait.ge [sflag:s20], $0x50  }
0x13e: {  	[sflag:s20] =	ssyncset.done $0x0  }
0x13f: {  	[sflag:s20] =	ssyncadd.s32 $0xFFFFFFB0  }
0x140: {  	[spmem:s5] =	stream.indirect.scatter.add.f32 [tilespmem:s16], [sflag:$0x5], $0x80, s2, s11, $0xb8;
	[tilespmem:$0x1E380] =	vst v63  }
0x141: {  	_ =	swait.ge [sflag:s19], $0x2800  }
0x142: {  	[sflag:s19] =	ssyncset.done $0x0  }
0x143: {  	[sflag:s19] =	ssyncadd.s32 $0xFFFFD800  }
0x144: {  	_ =	swait.ge [sflag:s15], $0x2800  }
0x145: {  	[sflag:s15] =	ssyncset.done $0x0  }
0x146: {  	s21 =	stileid.u32;
	[sflag:s15] =	ssyncadd.s32 $0xFFFFD800  }
0x147: {  	s25 =	simm.s32 $0xE;
	s30 =	simm.s32 $0x2900;
	[bflag:$0x0] =	sbarrier.arrive $0xFFFF  }
0x148: {  	s31 =	simm.s32 $0x7B80;
	s1 =	sshll.u32 s21, $0x6;
	s23 =	rddreg [dreg:$0xb]  }
0x149: {  	s1 =	sor.u32 $0x1C0E, s1;
	s24 =	rddreg [dreg:$0x11];
	s22 =	sshrl.u32 s23, $0x3  }
0x14a: {  	[hbm:s24], [sflag:s1] =	dma.local [spmem:s22], $0x2800  }
0x14b: {  	s7 =	simm.s32 $0x1;
	s0 =	simm.s32 $0x0;
	_ =	swait.ge [sflag:s25], $0x2800  }
0x14c: {  	s8 =	simm.s32 $0x2;
	s10 =	simm.s32 $0x9;
	s26 =	rddreg [dreg:$0x1b]  }
0x14d: {  	s6 =	simm.s32 $0xA;
	s29 =	rddreg [dreg:$0x12];
	s3 =	sadd.s32 $0x1, s26  }
0x14e: {  	s14 =	simm.s32 $0x2780;
	s17 =	simm.s32 $0x2880;
	p0 =	sne.s32 s3, s29  }
.Ltmp2:
0x14f: {  	s13 =	simm.s32 $0x2B80;
	s18 =	simm.s32 $0x4;
	(pc) =	sbr.rel @p0 .LBB2_1-.Ltmp2, $4  }
0x150: {  	s20 =	simm.s32 $0x2A00;
	s2 =	simm.s32 $0x7;
	s16 =	simm.s32 $0x5380  }
0x151: {  	s19 =	simm.s32 $0x5;
	s15 =	simm.s32 $0x2800;
	[sflag:s25] =	ssyncset.done $0x0  }
0x152: {  	s22 =	simm.s32 $0x8;
	s24 =	simm.s32 $0x6;
	[sflag:s25] =	ssyncadd.s32 $0xFFFFD800  }
0x153: {  	s25 =	simm.s32 $0x2980;
	s26 =	simm.s32 $0xB;
	s21 =	rddreg [dreg:$0x2]  }
0x154: {  	_ =	sfence.sel $0x180000  }
0x155: {  	[bflag:$0x0] =	sbarrier.arrive $0xFFFF  }
0x156: {  	_ =	strace $0x90000047  }
0x157: {  	s0 =	stileid.u32;
	[bflag:$0x2] =	sbarrier.arrive $0xFFFF  }
0x158: {  	p0 =	sne.s32 s0, $0x0;
	s0 =	rddreg [dreg:$0x4]  }
0x159: {  	s0 =	sadd.s32 @!p0 $0x100000, s0  }
0x15a: {  	[sflag:s0] =	ssyncadd.tile.s32 @!p0 $0x1;
	_ =	shalt  }
.Lfunc_end2:
_tile_overlayer_lowered:
.L_overlay_start_2:
0x15b: {  	(tag) =	ssettag $0x2  }
0x15c: {  	s0 =	rddreg [dreg:$0x0];
	s2 =	stileid.u32  }
0x15d: {  	s1 =	rddreg [dreg:$0x1];
	p0 =	sne.s32 s2, $0x0  }
0x15e: {  	s3 =	rddreg [dreg:$0x2];
	[bflag:$0x3] =	sbarrier.arrive $0xFFFF;
	s2 =	simm.s32 @!p0 $0x1C0E  }
0x15f: {  	[timem:s3], [sflag:s2] =	dma.local @!p0 [hbm:s0], s1  }
0x160: {  	s0 =	simm.s32 @!p0 $0xE  }
0x161: {  	_ =	swait.ge @!p0 [sflag:s0], s1  }
0x162: {  	s1 =	ssub.s32 @!p0 $0x0, s1;
	[sflag:s0] =	ssyncset.done @!p0 $0x0  }
0x163: {  	[sflag:s0] =	ssyncadd.s32 @!p0 s1  }
0x164: {  	[bflag:$0x3] =	sbarrier.arrive $0xFFFF  }
0x165: {  	_ =	shalt  }

</sc_bundles>
